<compile_context>
chip_gen: v7x
topology: tpu7x:2x2x1
jax: 0.10.2.dev20260603
libtpu: 0.0.44.dev20260713+nightly
codegen_flags: <defaults>
</compile_context>

<pallas_src>
import functools

import jax
import jax.numpy as jnp
from jax import lax
from jax.experimental import pallas as pl
from jax.experimental.pallas import tpu as pltpu
from jax.experimental.pallas import tpu_sc as plsc

N = 10000
E = 320000
D = 128
NC = 2
NS = 16
NW = NC * NS
EW = E // NW
CH = 40
NCHUNK = EW // CH
IBLK = 50
NBLK = NCHUNK // IBLK
NP = 10240
RW = NP // NS
DEGW = 16

BN = 2000
GRID = N // BN

_mesh = plsc.VectorSubcoreMesh(core_axis_name="c", subcore_axis_name="s")



@functools.partial(
    pl.kernel,
    out_type=jax.ShapeDtypeStruct((NW * NP,), jnp.float32),
    mesh=_mesh,
    scratch_types=[
        pltpu.VMEM((EW,), jnp.int32),
        pltpu.VMEM((NP,), jnp.float32),
    ],
    compiler_params=pltpu.CompilerParams(needs_layout_passes=False),
)
def _sc_degree(dst_hbm, zeros_hbm, out_hbm, dstv, degt):
    c = lax.axis_index("c")
    s = lax.axis_index("s")
    wid = c * NS + s
    pltpu.sync_copy(dst_hbm.at[pl.ds(wid * EW, EW)], dstv)
    pltpu.sync_copy(zeros_hbm, degt)
    ones = jnp.ones((16,), jnp.float32)

    def grp(g, carry):
        idx = dstv[pl.ds(g * 16, 16)]
        plsc.addupdate_scatter(degt, [idx], ones)
        return carry

    lax.fori_loop(0, EW // 16, grp, 0)
    pltpu.sync_copy(degt, out_hbm.at[pl.ds(wid * NP, NP)])


@functools.partial(
    pl.kernel,
    out_type=jax.ShapeDtypeStruct((NC * NP, D), jnp.float32),
    mesh=_mesh,
    scratch_types=[
        pltpu.VMEM((IBLK, CH), jnp.int32),
        pltpu.VMEM((IBLK, CH), jnp.int32),
        pltpu.VMEM((CH, D), jnp.float32),
        pltpu.VMEM((CH, D), jnp.float32),
        pltpu.SemaphoreType.DMA,
        pltpu.SemaphoreType.DMA,
        pltpu.VMEM_SHARED((NP, D), jnp.float32),
    ],
)
def _sc_edge_agg(hs_hbm, src_hbm, dst_hbm, zeros_hbm, out_hbm,
                 srcv, dstv, rows0, rows1, sem0, sem1, acc):
    c = lax.axis_index("c")
    s = lax.axis_index("s")
    wid = c * NS + s
    pltpu.sync_copy(zeros_hbm, acc.at[pl.ds(s * RW, RW)])
    plsc.subcore_barrier()

    def block(b, carry):
        pltpu.sync_copy(src_hbm.at[wid].at[b], srcv)
        pltpu.sync_copy(dst_hbm.at[wid].at[b], dstv)
        pltpu.async_copy(hs_hbm.at[srcv.at[0]], rows0, sem0)
        pltpu.async_copy(hs_hbm.at[srcv.at[1]], rows1, sem1)

        def pair(i, c2):
            j0 = 2 * i
            pltpu.make_async_copy(hs_hbm.at[srcv.at[j0]], rows0, sem0).wait()
            pltpu.sync_copy(rows0, acc.at[dstv.at[j0]], add=True)
            pltpu.async_copy(hs_hbm.at[srcv.at[j0 + 2]], rows0, sem0)
            pltpu.make_async_copy(hs_hbm.at[srcv.at[j0 + 1]], rows1,
                                  sem1).wait()
            pltpu.sync_copy(rows1, acc.at[dstv.at[j0 + 1]], add=True)
            pltpu.async_copy(hs_hbm.at[srcv.at[j0 + 3]], rows1, sem1)
            return c2

        lax.fori_loop(0, IBLK // 2 - 1, pair, 0)
        pltpu.make_async_copy(hs_hbm.at[srcv.at[IBLK - 2]], rows0,
                              sem0).wait()
        pltpu.sync_copy(rows0, acc.at[dstv.at[IBLK - 2]], add=True)
        pltpu.make_async_copy(hs_hbm.at[srcv.at[IBLK - 1]], rows1,
                              sem1).wait()
        pltpu.sync_copy(rows1, acc.at[dstv.at[IBLK - 1]], add=True)
        return carry

    lax.fori_loop(0, NBLK, block, 0)
    plsc.subcore_barrier()
    pltpu.sync_copy(acc.at[pl.ds(s * RW, RW)],
                    out_hbm.at[pl.ds(c * NP + s * RW, RW)])



def _tc_first(x_ref, w_ref, deg_ref, hs_ref, dinv_ref):
    deg = jnp.sum(deg_ref[...], axis=1, keepdims=True) + 1.0
    dinv = lax.rsqrt(deg)
    h = jnp.dot(x_ref[...], w_ref[...], preferred_element_type=jnp.float32)
    hs_ref[...] = h * dinv
    dinv_ref[...] = dinv


def _tc_mid(agg_ref, hs1_ref, dinv_ref, b_ref, w_ref, hs2_ref):
    a = agg_ref[...]
    dinv = dinv_ref[...]
    z = (a[0] + a[1] + hs1_ref[...]) * dinv + b_ref[...]
    o = jnp.maximum(z, 0.0)
    hs2_ref[...] = jnp.dot(o, w_ref[...],
                           preferred_element_type=jnp.float32) * dinv


def _tc_last(agg_ref, hs2_ref, dinv_ref, b_ref, fcw_ref, fcb_ref,
             h_ref, s_ref):
    a = agg_ref[...]
    z = (a[0] + a[1] + hs2_ref[...]) * dinv_ref[...] + b_ref[...]
    h = jnp.maximum(z, 0.0)
    h_ref[...] = h
    s_ref[...] = jnp.dot(h, fcw_ref[...],
                         preferred_element_type=jnp.float32) + fcb_ref[...]


_first = pl.pallas_call(
    _tc_first,
    grid=(GRID,),
    in_specs=[
        pl.BlockSpec((BN, D), lambda i: (i, 0)),
        pl.BlockSpec((D, D), lambda i: (0, 0)),
        pl.BlockSpec((BN, NW), lambda i: (i, 0)),
    ],
    out_specs=[
        pl.BlockSpec((BN, D), lambda i: (i, 0)),
        pl.BlockSpec((BN, 1), lambda i: (i, 0)),
    ],
    out_shape=[
        jax.ShapeDtypeStruct((N, D), jnp.float32),
        jax.ShapeDtypeStruct((N, 1), jnp.float32),
    ],
)

_mid = pl.pallas_call(
    _tc_mid,
    grid=(GRID,),
    in_specs=[
        pl.BlockSpec((NC, BN, D), lambda i: (0, i, 0)),
        pl.BlockSpec((BN, D), lambda i: (i, 0)),
        pl.BlockSpec((BN, 1), lambda i: (i, 0)),
        pl.BlockSpec((1, D), lambda i: (0, 0)),
        pl.BlockSpec((D, D), lambda i: (0, 0)),
    ],
    out_specs=pl.BlockSpec((BN, D), lambda i: (i, 0)),
    out_shape=jax.ShapeDtypeStruct((N, D), jnp.float32),
)

_last = pl.pallas_call(
    _tc_last,
    grid=(GRID,),
    in_specs=[
        pl.BlockSpec((NC, BN, D), lambda i: (0, i, 0)),
        pl.BlockSpec((BN, D), lambda i: (i, 0)),
        pl.BlockSpec((BN, 1), lambda i: (i, 0)),
        pl.BlockSpec((1, D), lambda i: (0, 0)),
        pl.BlockSpec((D, 1), lambda i: (0, 0)),
        pl.BlockSpec((1, 1), lambda i: (0, 0)),
    ],
    out_specs=[
        pl.BlockSpec((BN, D), lambda i: (i, 0)),
        pl.BlockSpec((BN, 1), lambda i: (i, 0)),
    ],
    out_shape=[
        jax.ShapeDtypeStruct((N, D), jnp.float32),
        jax.ShapeDtypeStruct((N, 1), jnp.float32),
    ],
)


def kernel(x, edge_index, W1, b1, W2, b2, fc_w, fc_b):
    src3 = edge_index[0].reshape(NW, NBLK, IBLK, CH)
    dst3 = edge_index[1].reshape(NW, NBLK, IBLK, CH)
    zeros_rowsD = jnp.zeros((RW, D), jnp.float32)
    zeros_np = jnp.zeros((NP,), jnp.float32)

    degp = _sc_degree(edge_index[1], zeros_np)
    degp = degp.reshape(NW, NP)[:, :N].T
    hs1, dinv = _first(x, W1, degp)
    agg1 = _sc_edge_agg(hs1, src3, dst3, zeros_rowsD).reshape(NC, NP, D)
    hs2 = _mid(agg1, hs1, dinv, b1.reshape(1, D), W2)
    agg2 = _sc_edge_agg(hs2, src3, dst3, zeros_rowsD).reshape(NC, NP, D)
    h, s = _last(agg2, hs2, dinv, b2.reshape(1, D), fc_w,
                 fc_b.reshape(1, 1))
    return s[:, 0], h

# --- scband reference (transcript-rebuilt; emitter-appended) ---
"""Pipeline reference for scband-node-scorer-35124242547174 (READ-ONLY COPY).

The authoritative reference and input builder live on the scoring server;
editing this copy changes nothing except your own understanding.
"""

import jax, jax.numpy as jnp
import numpy as np

N = 10000
E = 320000
D_IN = 128
D_H = 128
D_OUT = 128


def setup_inputs(seed: int = 0) -> dict:
    key = jax.random.key(seed)
    k1, k2, k3, k4, k5, k6 = jax.random.split(key, 6)
    x = jax.random.normal(k1, (N, D_IN), dtype=jnp.float32)
    edge_index = jax.random.randint(k2, (2, E), 0, N, dtype=jnp.int32)
    # GCNConv learned params (PyG semantics: lin weight + separate bias)
    W1 = jax.random.normal(k3, (D_IN, D_H), dtype=jnp.float32) * (1.0 / np.sqrt(D_IN))
    b1 = jnp.zeros((D_H,), dtype=jnp.float32)
    W2 = jax.random.normal(k4, (D_H, D_OUT), dtype=jnp.float32) * (1.0 / np.sqrt(D_H))
    b2 = jnp.zeros((D_OUT,), dtype=jnp.float32)
    # fc is reset to weight=ones, bias=zeros in reset_parameters()
    fc_w = jnp.ones((D_OUT, 1), dtype=jnp.float32)
    fc_b = jnp.zeros((1,), dtype=jnp.float32)
    return {"x": x, "edge_index": edge_index, "W1": W1, "b1": b1, "W2": W2, "b2": b2, "fc_w": fc_w, "fc_b": fc_b}


def _gcn_norm(edge_index, n):
    # add self loops
    loop = jnp.arange(n, dtype=edge_index.dtype)
    src = jnp.concatenate([edge_index[0], loop])
    dst = jnp.concatenate([edge_index[1], loop])
    deg = jnp.zeros((n,), dtype=jnp.float32).at[dst].add(1.0)
    dinv = jnp.where(deg > 0, deg ** -0.5, 0.0)
    norm = dinv[src] * dinv[dst]
    return src, dst, norm


def _gcn_layer(x, src, dst, norm, W, b, n):
    h = x @ W
    msg = h[src] * norm[:, None]
    out = jnp.zeros((n, h.shape[1]), dtype=h.dtype).at[dst].add(msg)
    return out + b


def reference(x, edge_index, W1, b1, W2, b2, fc_w, fc_b):
    n = x.shape[0]
    src, dst, norm = _gcn_norm(edge_index, n)
    h = _gcn_layer(x, src, dst, norm, W1, b1, n)
    h = jax.nn.relu(h)
    h = _gcn_layer(h, src, dst, norm, W2, b2, n)
    h = jax.nn.relu(h)
    scores = (h @ fc_w + fc_b)[:, 0]
    return scores, h

if __name__ == "__main__":
    import jax
    _d = setup_inputs()
    print(jax.jit(kernel)(*tuple(_d.values())))

</pallas_src>

<mosaic_0001>
#map = affine_map<(d0, d1) -> (0, 0)>
#map1 = affine_map<(d0, d1) -> (0, 0, 0, 0)>
module attributes {stable_mosaic.version = 14 : i64} {
  func.func @_sc_edge_agg(%arg0: i32, %arg1: i32, %arg2: memref<10000x128xf32, #tpu.memory_space<hbm>>, %arg3: memref<32x5x50x40xi32, #tpu.memory_space<hbm>>, %arg4: memref<32x5x50x40xi32, #tpu.memory_space<hbm>>, %arg5: memref<640x128xf32, #tpu.memory_space<hbm>>, %arg6: memref<20480x128xf32, #tpu.memory_space<hbm>>, %arg7: memref<50x40xi32, #tpu.memory_space<vmem>>, %arg8: memref<50x40xi32, #tpu.memory_space<vmem>>, %arg9: memref<40x128xf32, #tpu.memory_space<vmem>>, %arg10: memref<40x128xf32, #tpu.memory_space<vmem>>, %arg11: memref<!tpu.dma_semaphore, #tpu.memory_space<semaphore_mem>>, %arg12: memref<!tpu.dma_semaphore, #tpu.memory_space<semaphore_mem>>, %arg13: memref<10240x128xf32, #tpu.memory_space<vmem_shared>>) attributes {dimension_semantics = [#tpu.dimension_semantics<core_parallel>, #tpu.dimension_semantics<subcore_parallel>], iteration_bounds = array<i64: 2, 16>, scalar_prefetch = 0 : i64, scratch_operands = 7 : i64, tpu.core_type = #tpu.core_type<sc_vector_subcore>, window_params = [{transform_indices = #map}, {transform_indices = #map1}, {transform_indices = #map1}, {transform_indices = #map}, {transform_indices = #map}]} {
    %mul3A = arith.constant 16 : i32
    %mul3A_0 = arith.muli %arg0, %mul3A : i32
    %add3A = arith.addi %mul3A_0, %arg1 : i32
    %mul3A_1 = arith.constant 640 : i32
    %mul3A_2 = arith.muli %arg1, %mul3A_1 : i32
    "tpu.region"() ({
      %run_scoped3A = tpu.sem_alloc : memref<!tpu.dma_semaphore, #tpu.memory_space<semaphore_mem>>
      %dma_start3A = arith.constant 0 : i32
      %dma_start3A_16 = tpu.memref_slice %arg13[%mul3A_2, %dma_start3A] : memref<10240x128xf32, #tpu.memory_space<vmem_shared>> -> memref<640x128xf32, #tpu.memory_space<vmem_shared>>
      tpu.enqueue_dma source(%arg5 : memref<640x128xf32, #tpu.memory_space<hbm>>) target(%dma_start3A_16 : memref<640x128xf32, #tpu.memory_space<vmem_shared>>) target_semaphore(%run_scoped3A : memref<!tpu.dma_semaphore, #tpu.memory_space<semaphore_mem>>)
      %dma_wait3A = arith.constant 0 : i32
      %dma_wait3A_17 = tpu.memref_slice %arg13[%mul3A_2, %dma_wait3A] : memref<10240x128xf32, #tpu.memory_space<vmem_shared>> -> memref<640x128xf32, #tpu.memory_space<vmem_shared>>
      tpu.wait_dma2 semaphore(%run_scoped3A : memref<!tpu.dma_semaphore, #tpu.memory_space<semaphore_mem>>) src(%arg5 : memref<640x128xf32, #tpu.memory_space<hbm>>) dst(%dma_wait3A_17 : memref<640x128xf32, #tpu.memory_space<vmem_shared>>)
      tpu.yield
    }) : () -> ()
    %barrier3A = arith.constant 0 : index
    tpu.barrier barrier_id(%barrier3A)
    %scan3A = arith.constant 0 : i32
    %scan3A_3 = arith.constant 0 : i32
    %scan3A_4 = arith.constant 5 : i32
    %scan3A_5 = arith.addi %scan3A_3, %scan3A_4 : i32
    %scan3A_6 = arith.constant 1 : i32
    scf.for %scan3A_16 = %scan3A_3 to %scan3A_5 step %scan3A_6  : i32 {
      "tpu.region"() ({
        %run_scoped3A_50 = tpu.sem_alloc : memref<!tpu.dma_semaphore, #tpu.memory_space<semaphore_mem>>
        %dma_start3A_51 = arith.constant 0 : i32
        %dma_start3A_52 = arith.constant 0 : i32
        %dma_start3A_53 = arith.constant 0 : i32
        %dma_start3A_54 = tpu.memref_slice %arg3[%add3A, %dma_start3A_51, %dma_start3A_52, %dma_start3A_53] : memref<32x5x50x40xi32, #tpu.memory_space<hbm>> -> memref<1x5x50x40xi32, #tpu.memory_space<hbm>>
        %dma_start3A_55 = tpu.memref_squeeze %dma_start3A_54 : memref<1x5x50x40xi32, #tpu.memory_space<hbm>> -> memref<5x50x40xi32, #tpu.memory_space<hbm>>
        %dma_start3A_56 = arith.constant 0 : i32
        %dma_start3A_57 = arith.constant 0 : i32
        %dma_start3A_58 = tpu.memref_slice %dma_start3A_55[%scan3A_16, %dma_start3A_56, %dma_start3A_57] : memref<5x50x40xi32, #tpu.memory_space<hbm>> -> memref<1x50x40xi32, #tpu.memory_space<hbm>>
        %dma_start3A_59 = tpu.memref_squeeze %dma_start3A_58 : memref<1x50x40xi32, #tpu.memory_space<hbm>> -> memref<50x40xi32, #tpu.memory_space<hbm>>
        %dma_start3A_60 = arith.constant 0 : i32
        %dma_start3A_61 = arith.constant 0 : i32
        %dma_start3A_62 = arith.constant 0 : i32
        %dma_start3A_63 = tpu.memref_slice %arg3[%add3A, %dma_start3A_60, %dma_start3A_61, %dma_start3A_62] : memref<32x5x50x40xi32, #tpu.memory_space<hbm>> -> memref<1x5x50x40xi32, #tpu.memory_space<hbm>>
        %dma_start3A_64 = tpu.memref_squeeze %dma_start3A_63 : memref<1x5x50x40xi32, #tpu.memory_space<hbm>> -> memref<5x50x40xi32, #tpu.memory_space<hbm>>
        %dma_start3A_65 = arith.constant 0 : i32
        %dma_start3A_66 = arith.constant 0 : i32
        %dma_start3A_67 = tpu.memref_slice %dma_start3A_64[%scan3A_16, %dma_start3A_65, %dma_start3A_66] : memref<5x50x40xi32, #tpu.memory_space<hbm>> -> memref<1x50x40xi32, #tpu.memory_space<hbm>>
        %dma_start3A_68 = tpu.memref_squeeze %dma_start3A_67 : memref<1x50x40xi32, #tpu.memory_space<hbm>> -> memref<50x40xi32, #tpu.memory_space<hbm>>
        tpu.enqueue_dma source(%dma_start3A_68 : memref<50x40xi32, #tpu.memory_space<hbm>>) target(%arg7 : memref<50x40xi32, #tpu.memory_space<vmem>>) target_semaphore(%run_scoped3A_50 : memref<!tpu.dma_semaphore, #tpu.memory_space<semaphore_mem>>)
        %dma_wait3A_69 = arith.constant 0 : i32
        %dma_wait3A_70 = arith.constant 0 : i32
        %dma_wait3A_71 = arith.constant 0 : i32
        %dma_wait3A_72 = tpu.memref_slice %arg3[%add3A, %dma_wait3A_69, %dma_wait3A_70, %dma_wait3A_71] : memref<32x5x50x40xi32, #tpu.memory_space<hbm>> -> memref<1x5x50x40xi32, #tpu.memory_space<hbm>>
        %dma_wait3A_73 = tpu.memref_squeeze %dma_wait3A_72 : memref<1x5x50x40xi32, #tpu.memory_space<hbm>> -> memref<5x50x40xi32, #tpu.memory_space<hbm>>
        %dma_wait3A_74 = arith.constant 0 : i32
        %dma_wait3A_75 = arith.constant 0 : i32
        %dma_wait3A_76 = tpu.memref_slice %dma_wait3A_73[%scan3A_16, %dma_wait3A_74, %dma_wait3A_75] : memref<5x50x40xi32, #tpu.memory_space<hbm>> -> memref<1x50x40xi32, #tpu.memory_space<hbm>>
        %dma_wait3A_77 = tpu.memref_squeeze %dma_wait3A_76 : memref<1x50x40xi32, #tpu.memory_space<hbm>> -> memref<50x40xi32, #tpu.memory_space<hbm>>
        %dma_wait3A_78 = arith.constant 0 : i32
        %dma_wait3A_79 = arith.constant 0 : i32
        %dma_wait3A_80 = arith.constant 0 : i32
        %dma_wait3A_81 = tpu.memref_slice %arg3[%add3A, %dma_wait3A_78, %dma_wait3A_79, %dma_wait3A_80] : memref<32x5x50x40xi32, #tpu.memory_space<hbm>> -> memref<1x5x50x40xi32, #tpu.memory_space<hbm>>
        %dma_wait3A_82 = tpu.memref_squeeze %dma_wait3A_81 : memref<1x5x50x40xi32, #tpu.memory_space<hbm>> -> memref<5x50x40xi32, #tpu.memory_space<hbm>>
        %dma_wait3A_83 = arith.constant 0 : i32
        %dma_wait3A_84 = arith.constant 0 : i32
        %dma_wait3A_85 = tpu.memref_slice %dma_wait3A_82[%scan3A_16, %dma_wait3A_83, %dma_wait3A_84] : memref<5x50x40xi32, #tpu.memory_space<hbm>> -> memref<1x50x40xi32, #tpu.memory_space<hbm>>
        %dma_wait3A_86 = tpu.memref_squeeze %dma_wait3A_85 : memref<1x50x40xi32, #tpu.memory_space<hbm>> -> memref<50x40xi32, #tpu.memory_space<hbm>>
        tpu.wait_dma2 semaphore(%run_scoped3A_50 : memref<!tpu.dma_semaphore, #tpu.memory_space<semaphore_mem>>) src(%dma_wait3A_86 : memref<50x40xi32, #tpu.memory_space<hbm>>) dst(%arg7 : memref<50x40xi32, #tpu.memory_space<vmem>>)
        tpu.yield
      }) : () -> ()
      "tpu.region"() ({
        %run_scoped3A_50 = tpu.sem_alloc : memref<!tpu.dma_semaphore, #tpu.memory_space<semaphore_mem>>
        %dma_start3A_51 = arith.constant 0 : i32
        %dma_start3A_52 = arith.constant 0 : i32
        %dma_start3A_53 = arith.constant 0 : i32
        %dma_start3A_54 = tpu.memref_slice %arg4[%add3A, %dma_start3A_51, %dma_start3A_52, %dma_start3A_53] : memref<32x5x50x40xi32, #tpu.memory_space<hbm>> -> memref<1x5x50x40xi32, #tpu.memory_space<hbm>>
        %dma_start3A_55 = tpu.memref_squeeze %dma_start3A_54 : memref<1x5x50x40xi32, #tpu.memory_space<hbm>> -> memref<5x50x40xi32, #tpu.memory_space<hbm>>
        %dma_start3A_56 = arith.constant 0 : i32
        %dma_start3A_57 = arith.constant 0 : i32
        %dma_start3A_58 = tpu.memref_slice %dma_start3A_55[%scan3A_16, %dma_start3A_56, %dma_start3A_57] : memref<5x50x40xi32, #tpu.memory_space<hbm>> -> memref<1x50x40xi32, #tpu.memory_space<hbm>>
        %dma_start3A_59 = tpu.memref_squeeze %dma_start3A_58 : memref<1x50x40xi32, #tpu.memory_space<hbm>> -> memref<50x40xi32, #tpu.memory_space<hbm>>
        %dma_start3A_60 = arith.constant 0 : i32
        %dma_start3A_61 = arith.constant 0 : i32
        %dma_start3A_62 = arith.constant 0 : i32
        %dma_start3A_63 = tpu.memref_slice %arg4[%add3A, %dma_start3A_60, %dma_start3A_61, %dma_start3A_62] : memref<32x5x50x40xi32, #tpu.memory_space<hbm>> -> memref<1x5x50x40xi32, #tpu.memory_space<hbm>>
        %dma_start3A_64 = tpu.memref_squeeze %dma_start3A_63 : memref<1x5x50x40xi32, #tpu.memory_space<hbm>> -> memref<5x50x40xi32, #tpu.memory_space<hbm>>
        %dma_start3A_65 = arith.constant 0 : i32
        %dma_start3A_66 = arith.constant 0 : i32
        %dma_start3A_67 = tpu.memref_slice %dma_start3A_64[%scan3A_16, %dma_start3A_65, %dma_start3A_66] : memref<5x50x40xi32, #tpu.memory_space<hbm>> -> memref<1x50x40xi32, #tpu.memory_space<hbm>>
        %dma_start3A_68 = tpu.memref_squeeze %dma_start3A_67 : memref<1x50x40xi32, #tpu.memory_space<hbm>> -> memref<50x40xi32, #tpu.memory_space<hbm>>
        tpu.enqueue_dma source(%dma_start3A_68 : memref<50x40xi32, #tpu.memory_space<hbm>>) target(%arg8 : memref<50x40xi32, #tpu.memory_space<vmem>>) target_semaphore(%run_scoped3A_50 : memref<!tpu.dma_semaphore, #tpu.memory_space<semaphore_mem>>)
        %dma_wait3A_69 = arith.constant 0 : i32
        %dma_wait3A_70 = arith.constant 0 : i32
        %dma_wait3A_71 = arith.constant 0 : i32
        %dma_wait3A_72 = tpu.memref_slice %arg4[%add3A, %dma_wait3A_69, %dma_wait3A_70, %dma_wait3A_71] : memref<32x5x50x40xi32, #tpu.memory_space<hbm>> -> memref<1x5x50x40xi32, #tpu.memory_space<hbm>>
        %dma_wait3A_73 = tpu.memref_squeeze %dma_wait3A_72 : memref<1x5x50x40xi32, #tpu.memory_space<hbm>> -> memref<5x50x40xi32, #tpu.memory_space<hbm>>
        %dma_wait3A_74 = arith.constant 0 : i32
        %dma_wait3A_75 = arith.constant 0 : i32
        %dma_wait3A_76 = tpu.memref_slice %dma_wait3A_73[%scan3A_16, %dma_wait3A_74, %dma_wait3A_75] : memref<5x50x40xi32, #tpu.memory_space<hbm>> -> memref<1x50x40xi32, #tpu.memory_space<hbm>>
        %dma_wait3A_77 = tpu.memref_squeeze %dma_wait3A_76 : memref<1x50x40xi32, #tpu.memory_space<hbm>> -> memref<50x40xi32, #tpu.memory_space<hbm>>
        %dma_wait3A_78 = arith.constant 0 : i32
        %dma_wait3A_79 = arith.constant 0 : i32
        %dma_wait3A_80 = arith.constant 0 : i32
        %dma_wait3A_81 = tpu.memref_slice %arg4[%add3A, %dma_wait3A_78, %dma_wait3A_79, %dma_wait3A_80] : memref<32x5x50x40xi32, #tpu.memory_space<hbm>> -> memref<1x5x50x40xi32, #tpu.memory_space<hbm>>
        %dma_wait3A_82 = tpu.memref_squeeze %dma_wait3A_81 : memref<1x5x50x40xi32, #tpu.memory_space<hbm>> -> memref<5x50x40xi32, #tpu.memory_space<hbm>>
        %dma_wait3A_83 = arith.constant 0 : i32
        %dma_wait3A_84 = arith.constant 0 : i32
        %dma_wait3A_85 = tpu.memref_slice %dma_wait3A_82[%scan3A_16, %dma_wait3A_83, %dma_wait3A_84] : memref<5x50x40xi32, #tpu.memory_space<hbm>> -> memref<1x50x40xi32, #tpu.memory_space<hbm>>
        %dma_wait3A_86 = tpu.memref_squeeze %dma_wait3A_85 : memref<1x50x40xi32, #tpu.memory_space<hbm>> -> memref<50x40xi32, #tpu.memory_space<hbm>>
        tpu.wait_dma2 semaphore(%run_scoped3A_50 : memref<!tpu.dma_semaphore, #tpu.memory_space<semaphore_mem>>) src(%dma_wait3A_86 : memref<50x40xi32, #tpu.memory_space<hbm>>) dst(%arg8 : memref<50x40xi32, #tpu.memory_space<vmem>>)
        tpu.yield
      }) : () -> ()
      %dma_start3A = arith.constant 0 : i32
      %dma_start3A_17 = arith.constant 0 : i32
      %dma_start3A_18 = tpu.memref_slice %arg7[%dma_start3A, %dma_start3A_17] : memref<50x40xi32, #tpu.memory_space<vmem>> -> memref<1x40xi32, #tpu.memory_space<vmem>>
      %dma_start3A_19 = tpu.memref_squeeze %dma_start3A_18 : memref<1x40xi32, #tpu.memory_space<vmem>> -> memref<40xi32, #tpu.memory_space<vmem>>
      %dma_start3A_20 = arith.constant 0 : i32
      %dma_start3A_21 = arith.constant 0 : i32
      %dma_start3A_22 = tpu.memref_slice %arg2[%dma_start3A_20, %dma_start3A_21] : memref<10000x128xf32, #tpu.memory_space<hbm>> -> memref<10000x128xf32, #tpu.memory_space<hbm>>
      tpu.enqueue_indirect_dma source(%dma_start3A_22 : memref<10000x128xf32, #tpu.memory_space<hbm>>) target(%arg9 : memref<40x128xf32, #tpu.memory_space<vmem>>) offsets(%dma_start3A_19 : memref<40xi32, #tpu.memory_space<vmem>>) semaphore(%arg11 : memref<!tpu.dma_semaphore, #tpu.memory_space<semaphore_mem>>)
      %dma_start3A_23 = arith.constant 1 : i32
      %dma_start3A_24 = arith.constant 0 : i32
      %dma_start3A_25 = tpu.memref_slice %arg7[%dma_start3A_23, %dma_start3A_24] : memref<50x40xi32, #tpu.memory_space<vmem>> -> memref<1x40xi32, #tpu.memory_space<vmem>>
      %dma_start3A_26 = tpu.memref_squeeze %dma_start3A_25 : memref<1x40xi32, #tpu.memory_space<vmem>> -> memref<40xi32, #tpu.memory_space<vmem>>
      %dma_start3A_27 = arith.constant 0 : i32
      %dma_start3A_28 = arith.constant 0 : i32
      %dma_start3A_29 = tpu.memref_slice %arg2[%dma_start3A_27, %dma_start3A_28] : memref<10000x128xf32, #tpu.memory_space<hbm>> -> memref<10000x128xf32, #tpu.memory_space<hbm>>
      tpu.enqueue_indirect_dma source(%dma_start3A_29 : memref<10000x128xf32, #tpu.memory_space<hbm>>) target(%arg10 : memref<40x128xf32, #tpu.memory_space<vmem>>) offsets(%dma_start3A_26 : memref<40xi32, #tpu.memory_space<vmem>>) semaphore(%arg12 : memref<!tpu.dma_semaphore, #tpu.memory_space<semaphore_mem>>)
      %scan3A_30 = arith.constant 0 : i32
      %scan3A_31 = arith.constant 0 : i32
      %scan3A_32 = arith.constant 24 : i32
      %scan3A_33 = arith.addi %scan3A_31, %scan3A_32 : i32
      %scan3A_34 = arith.constant 1 : i32
      scf.for %scan3A_50 = %scan3A_31 to %scan3A_33 step %scan3A_34  : i32 {
        %mul3A_51 = arith.constant 2 : i32
        %mul3A_52 = arith.muli %mul3A_51, %scan3A_50 : i32
        %dma_wait3A_53 = arith.constant 0 : i32
        %dma_wait3A_54 = tpu.memref_slice %arg7[%mul3A_52, %dma_wait3A_53] : memref<50x40xi32, #tpu.memory_space<vmem>> -> memref<1x40xi32, #tpu.memory_space<vmem>>
        %dma_wait3A_55 = tpu.memref_squeeze %dma_wait3A_54 : memref<1x40xi32, #tpu.memory_space<vmem>> -> memref<40xi32, #tpu.memory_space<vmem>>
        %dma_wait3A_56 = arith.constant 0 : i32
        %dma_wait3A_57 = arith.constant 0 : i32
        %dma_wait3A_58 = tpu.memref_slice %arg2[%dma_wait3A_56, %dma_wait3A_57] : memref<10000x128xf32, #tpu.memory_space<hbm>> -> memref<10000x128xf32, #tpu.memory_space<hbm>>
        tpu.wait_indirect_dma semaphore(%arg11 : memref<!tpu.dma_semaphore, #tpu.memory_space<semaphore_mem>>) src(%dma_wait3A_58 : memref<10000x128xf32, #tpu.memory_space<hbm>>) dst(%arg9 : memref<40x128xf32, #tpu.memory_space<vmem>>)
        "tpu.region"() ({
          %run_scoped3A_85 = tpu.sem_alloc : memref<!tpu.dma_semaphore, #tpu.memory_space<semaphore_mem>>
          %dma_start3A_86 = arith.constant 0 : i32
          %dma_start3A_87 = tpu.memref_slice %arg8[%mul3A_52, %dma_start3A_86] : memref<50x40xi32, #tpu.memory_space<vmem>> -> memref<1x40xi32, #tpu.memory_space<vmem>>
          %dma_start3A_88 = tpu.memref_squeeze %dma_start3A_87 : memref<1x40xi32, #tpu.memory_space<vmem>> -> memref<40xi32, #tpu.memory_space<vmem>>
          %dma_start3A_89 = arith.constant 0 : i32
          %dma_start3A_90 = arith.constant 0 : i32
          %dma_start3A_91 = tpu.memref_slice %arg13[%dma_start3A_89, %dma_start3A_90] : memref<10240x128xf32, #tpu.memory_space<vmem_shared>> -> memref<10240x128xf32, #tpu.memory_space<vmem_shared>>
          tpu.enqueue_indirect_dma source(%arg9 : memref<40x128xf32, #tpu.memory_space<vmem>>) target(%dma_start3A_91 : memref<10240x128xf32, #tpu.memory_space<vmem_shared>>) offsets(%dma_start3A_88 : memref<40xi32, #tpu.memory_space<vmem>>) semaphore(%run_scoped3A_85 : memref<!tpu.dma_semaphore, #tpu.memory_space<semaphore_mem>>) {add = true}
          %dma_wait3A_92 = arith.constant 0 : i32
          %dma_wait3A_93 = tpu.memref_slice %arg8[%mul3A_52, %dma_wait3A_92] : memref<50x40xi32, #tpu.memory_space<vmem>> -> memref<1x40xi32, #tpu.memory_space<vmem>>
          %dma_wait3A_94 = tpu.memref_squeeze %dma_wait3A_93 : memref<1x40xi32, #tpu.memory_space<vmem>> -> memref<40xi32, #tpu.memory_space<vmem>>
          %dma_wait3A_95 = arith.constant 0 : i32
          %dma_wait3A_96 = arith.constant 0 : i32
          %dma_wait3A_97 = tpu.memref_slice %arg13[%dma_wait3A_95, %dma_wait3A_96] : memref<10240x128xf32, #tpu.memory_space<vmem_shared>> -> memref<10240x128xf32, #tpu.memory_space<vmem_shared>>
          tpu.wait_indirect_dma semaphore(%run_scoped3A_85 : memref<!tpu.dma_semaphore, #tpu.memory_space<semaphore_mem>>) src(%arg9 : memref<40x128xf32, #tpu.memory_space<vmem>>) dst(%dma_wait3A_97 : memref<10240x128xf32, #tpu.memory_space<vmem_shared>>)
          tpu.yield
        }) : () -> ()
        %add3A_59 = arith.constant 2 : i32
        %add3A_60 = arith.addi %mul3A_52, %add3A_59 : i32
        %dma_start3A_61 = arith.constant 0 : i32
        %dma_start3A_62 = tpu.memref_slice %arg7[%add3A_60, %dma_start3A_61] : memref<50x40xi32, #tpu.memory_space<vmem>> -> memref<1x40xi32, #tpu.memory_space<vmem>>
        %dma_start3A_63 = tpu.memref_squeeze %dma_start3A_62 : memref<1x40xi32, #tpu.memory_space<vmem>> -> memref<40xi32, #tpu.memory_space<vmem>>
        %dma_start3A_64 = arith.constant 0 : i32
        %dma_start3A_65 = arith.constant 0 : i32
        %dma_start3A_66 = tpu.memref_slice %arg2[%dma_start3A_64, %dma_start3A_65] : memref<10000x128xf32, #tpu.memory_space<hbm>> -> memref<10000x128xf32, #tpu.memory_space<hbm>>
        tpu.enqueue_indirect_dma source(%dma_start3A_66 : memref<10000x128xf32, #tpu.memory_space<hbm>>) target(%arg9 : memref<40x128xf32, #tpu.memory_space<vmem>>) offsets(%dma_start3A_63 : memref<40xi32, #tpu.memory_space<vmem>>) semaphore(%arg11 : memref<!tpu.dma_semaphore, #tpu.memory_space<semaphore_mem>>)
        %add3A_67 = arith.constant 1 : i32
        %add3A_68 = arith.addi %mul3A_52, %add3A_67 : i32
        %dma_wait3A_69 = arith.constant 0 : i32
        %dma_wait3A_70 = tpu.memref_slice %arg7[%add3A_68, %dma_wait3A_69] : memref<50x40xi32, #tpu.memory_space<vmem>> -> memref<1x40xi32, #tpu.memory_space<vmem>>
        %dma_wait3A_71 = tpu.memref_squeeze %dma_wait3A_70 : memref<1x40xi32, #tpu.memory_space<vmem>> -> memref<40xi32, #tpu.memory_space<vmem>>
        %dma_wait3A_72 = arith.constant 0 : i32
        %dma_wait3A_73 = arith.constant 0 : i32
        %dma_wait3A_74 = tpu.memref_slice %arg2[%dma_wait3A_72, %dma_wait3A_73] : memref<10000x128xf32, #tpu.memory_space<hbm>> -> memref<10000x128xf32, #tpu.memory_space<hbm>>
        tpu.wait_indirect_dma semaphore(%arg12 : memref<!tpu.dma_semaphore, #tpu.memory_space<semaphore_mem>>) src(%dma_wait3A_74 : memref<10000x128xf32, #tpu.memory_space<hbm>>) dst(%arg10 : memref<40x128xf32, #tpu.memory_space<vmem>>)
        %add3A_75 = arith.constant 1 : i32
        %add3A_76 = arith.addi %mul3A_52, %add3A_75 : i32
        "tpu.region"() ({
          %run_scoped3A_85 = tpu.sem_alloc : memref<!tpu.dma_semaphore, #tpu.memory_space<semaphore_mem>>
          %dma_start3A_86 = arith.constant 0 : i32
          %dma_start3A_87 = tpu.memref_slice %arg8[%add3A_76, %dma_start3A_86] : memref<50x40xi32, #tpu.memory_space<vmem>> -> memref<1x40xi32, #tpu.memory_space<vmem>>
          %dma_start3A_88 = tpu.memref_squeeze %dma_start3A_87 : memref<1x40xi32, #tpu.memory_space<vmem>> -> memref<40xi32, #tpu.memory_space<vmem>>
          %dma_start3A_89 = arith.constant 0 : i32
          %dma_start3A_90 = arith.constant 0 : i32
          %dma_start3A_91 = tpu.memref_slice %arg13[%dma_start3A_89, %dma_start3A_90] : memref<10240x128xf32, #tpu.memory_space<vmem_shared>> -> memref<10240x128xf32, #tpu.memory_space<vmem_shared>>
          tpu.enqueue_indirect_dma source(%arg10 : memref<40x128xf32, #tpu.memory_space<vmem>>) target(%dma_start3A_91 : memref<10240x128xf32, #tpu.memory_space<vmem_shared>>) offsets(%dma_start3A_88 : memref<40xi32, #tpu.memory_space<vmem>>) semaphore(%run_scoped3A_85 : memref<!tpu.dma_semaphore, #tpu.memory_space<semaphore_mem>>) {add = true}
          %dma_wait3A_92 = arith.constant 0 : i32
          %dma_wait3A_93 = tpu.memref_slice %arg8[%add3A_76, %dma_wait3A_92] : memref<50x40xi32, #tpu.memory_space<vmem>> -> memref<1x40xi32, #tpu.memory_space<vmem>>
          %dma_wait3A_94 = tpu.memref_squeeze %dma_wait3A_93 : memref<1x40xi32, #tpu.memory_space<vmem>> -> memref<40xi32, #tpu.memory_space<vmem>>
          %dma_wait3A_95 = arith.constant 0 : i32
          %dma_wait3A_96 = arith.constant 0 : i32
          %dma_wait3A_97 = tpu.memref_slice %arg13[%dma_wait3A_95, %dma_wait3A_96] : memref<10240x128xf32, #tpu.memory_space<vmem_shared>> -> memref<10240x128xf32, #tpu.memory_space<vmem_shared>>
          tpu.wait_indirect_dma semaphore(%run_scoped3A_85 : memref<!tpu.dma_semaphore, #tpu.memory_space<semaphore_mem>>) src(%arg10 : memref<40x128xf32, #tpu.memory_space<vmem>>) dst(%dma_wait3A_97 : memref<10240x128xf32, #tpu.memory_space<vmem_shared>>)
          tpu.yield
        }) : () -> ()
        %add3A_77 = arith.constant 3 : i32
        %add3A_78 = arith.addi %mul3A_52, %add3A_77 : i32
        %dma_start3A_79 = arith.constant 0 : i32
        %dma_start3A_80 = tpu.memref_slice %arg7[%add3A_78, %dma_start3A_79] : memref<50x40xi32, #tpu.memory_space<vmem>> -> memref<1x40xi32, #tpu.memory_space<vmem>>
        %dma_start3A_81 = tpu.memref_squeeze %dma_start3A_80 : memref<1x40xi32, #tpu.memory_space<vmem>> -> memref<40xi32, #tpu.memory_space<vmem>>
        %dma_start3A_82 = arith.constant 0 : i32
        %dma_start3A_83 = arith.constant 0 : i32
        %dma_start3A_84 = tpu.memref_slice %arg2[%dma_start3A_82, %dma_start3A_83] : memref<10000x128xf32, #tpu.memory_space<hbm>> -> memref<10000x128xf32, #tpu.memory_space<hbm>>
        tpu.enqueue_indirect_dma source(%dma_start3A_84 : memref<10000x128xf32, #tpu.memory_space<hbm>>) target(%arg10 : memref<40x128xf32, #tpu.memory_space<vmem>>) offsets(%dma_start3A_81 : memref<40xi32, #tpu.memory_space<vmem>>) semaphore(%arg12 : memref<!tpu.dma_semaphore, #tpu.memory_space<semaphore_mem>>)
      }
      %scan3A_35 = arith.constant 24 : i32
      %dma_wait3A = arith.constant 48 : i32
      %dma_wait3A_36 = arith.constant 0 : i32
      %dma_wait3A_37 = tpu.memref_slice %arg7[%dma_wait3A, %dma_wait3A_36] : memref<50x40xi32, #tpu.memory_space<vmem>> -> memref<1x40xi32, #tpu.memory_space<vmem>>
      %dma_wait3A_38 = tpu.memref_squeeze %dma_wait3A_37 : memref<1x40xi32, #tpu.memory_space<vmem>> -> memref<40xi32, #tpu.memory_space<vmem>>
      %dma_wait3A_39 = arith.constant 0 : i32
      %dma_wait3A_40 = arith.constant 0 : i32
      %dma_wait3A_41 = tpu.memref_slice %arg2[%dma_wait3A_39, %dma_wait3A_40] : memref<10000x128xf32, #tpu.memory_space<hbm>> -> memref<10000x128xf32, #tpu.memory_space<hbm>>
      tpu.wait_indirect_dma semaphore(%arg11 : memref<!tpu.dma_semaphore, #tpu.memory_space<semaphore_mem>>) src(%dma_wait3A_41 : memref<10000x128xf32, #tpu.memory_space<hbm>>) dst(%arg9 : memref<40x128xf32, #tpu.memory_space<vmem>>)
      %run_scoped3A = arith.constant 48 : i32
      "tpu.region"() ({
        %run_scoped3A_50 = tpu.sem_alloc : memref<!tpu.dma_semaphore, #tpu.memory_space<semaphore_mem>>
        %dma_start3A_51 = arith.constant 0 : i32
        %dma_start3A_52 = tpu.memref_slice %arg8[%run_scoped3A, %dma_start3A_51] : memref<50x40xi32, #tpu.memory_space<vmem>> -> memref<1x40xi32, #tpu.memory_space<vmem>>
        %dma_start3A_53 = tpu.memref_squeeze %dma_start3A_52 : memref<1x40xi32, #tpu.memory_space<vmem>> -> memref<40xi32, #tpu.memory_space<vmem>>
        %dma_start3A_54 = arith.constant 0 : i32
        %dma_start3A_55 = arith.constant 0 : i32
        %dma_start3A_56 = tpu.memref_slice %arg13[%dma_start3A_54, %dma_start3A_55] : memref<10240x128xf32, #tpu.memory_space<vmem_shared>> -> memref<10240x128xf32, #tpu.memory_space<vmem_shared>>
        tpu.enqueue_indirect_dma source(%arg9 : memref<40x128xf32, #tpu.memory_space<vmem>>) target(%dma_start3A_56 : memref<10240x128xf32, #tpu.memory_space<vmem_shared>>) offsets(%dma_start3A_53 : memref<40xi32, #tpu.memory_space<vmem>>) semaphore(%run_scoped3A_50 : memref<!tpu.dma_semaphore, #tpu.memory_space<semaphore_mem>>) {add = true}
        %dma_wait3A_57 = arith.constant 0 : i32
        %dma_wait3A_58 = tpu.memref_slice %arg8[%run_scoped3A, %dma_wait3A_57] : memref<50x40xi32, #tpu.memory_space<vmem>> -> memref<1x40xi32, #tpu.memory_space<vmem>>
        %dma_wait3A_59 = tpu.memref_squeeze %dma_wait3A_58 : memref<1x40xi32, #tpu.memory_space<vmem>> -> memref<40xi32, #tpu.memory_space<vmem>>
        %dma_wait3A_60 = arith.constant 0 : i32
        %dma_wait3A_61 = arith.constant 0 : i32
        %dma_wait3A_62 = tpu.memref_slice %arg13[%dma_wait3A_60, %dma_wait3A_61] : memref<10240x128xf32, #tpu.memory_space<vmem_shared>> -> memref<10240x128xf32, #tpu.memory_space<vmem_shared>>
        tpu.wait_indirect_dma semaphore(%run_scoped3A_50 : memref<!tpu.dma_semaphore, #tpu.memory_space<semaphore_mem>>) src(%arg9 : memref<40x128xf32, #tpu.memory_space<vmem>>) dst(%dma_wait3A_62 : memref<10240x128xf32, #tpu.memory_space<vmem_shared>>)
        tpu.yield
      }) : () -> ()
      %dma_wait3A_42 = arith.constant 49 : i32
      %dma_wait3A_43 = arith.constant 0 : i32
      %dma_wait3A_44 = tpu.memref_slice %arg7[%dma_wait3A_42, %dma_wait3A_43] : memref<50x40xi32, #tpu.memory_space<vmem>> -> memref<1x40xi32, #tpu.memory_space<vmem>>
      %dma_wait3A_45 = tpu.memref_squeeze %dma_wait3A_44 : memref<1x40xi32, #tpu.memory_space<vmem>> -> memref<40xi32, #tpu.memory_space<vmem>>
      %dma_wait3A_46 = arith.constant 0 : i32
      %dma_wait3A_47 = arith.constant 0 : i32
      %dma_wait3A_48 = tpu.memref_slice %arg2[%dma_wait3A_46, %dma_wait3A_47] : memref<10000x128xf32, #tpu.memory_space<hbm>> -> memref<10000x128xf32, #tpu.memory_space<hbm>>
      tpu.wait_indirect_dma semaphore(%arg12 : memref<!tpu.dma_semaphore, #tpu.memory_space<semaphore_mem>>) src(%dma_wait3A_48 : memref<10000x128xf32, #tpu.memory_space<hbm>>) dst(%arg10 : memref<40x128xf32, #tpu.memory_space<vmem>>)
      %run_scoped3A_49 = arith.constant 49 : i32
      "tpu.region"() ({
        %run_scoped3A_50 = tpu.sem_alloc : memref<!tpu.dma_semaphore, #tpu.memory_space<semaphore_mem>>
        %dma_start3A_51 = arith.constant 0 : i32
        %dma_start3A_52 = tpu.memref_slice %arg8[%run_scoped3A_49, %dma_start3A_51] : memref<50x40xi32, #tpu.memory_space<vmem>> -> memref<1x40xi32, #tpu.memory_space<vmem>>
        %dma_start3A_53 = tpu.memref_squeeze %dma_start3A_52 : memref<1x40xi32, #tpu.memory_space<vmem>> -> memref<40xi32, #tpu.memory_space<vmem>>
        %dma_start3A_54 = arith.constant 0 : i32
        %dma_start3A_55 = arith.constant 0 : i32
        %dma_start3A_56 = tpu.memref_slice %arg13[%dma_start3A_54, %dma_start3A_55] : memref<10240x128xf32, #tpu.memory_space<vmem_shared>> -> memref<10240x128xf32, #tpu.memory_space<vmem_shared>>
        tpu.enqueue_indirect_dma source(%arg10 : memref<40x128xf32, #tpu.memory_space<vmem>>) target(%dma_start3A_56 : memref<10240x128xf32, #tpu.memory_space<vmem_shared>>) offsets(%dma_start3A_53 : memref<40xi32, #tpu.memory_space<vmem>>) semaphore(%run_scoped3A_50 : memref<!tpu.dma_semaphore, #tpu.memory_space<semaphore_mem>>) {add = true}
        %dma_wait3A_57 = arith.constant 0 : i32
        %dma_wait3A_58 = tpu.memref_slice %arg8[%run_scoped3A_49, %dma_wait3A_57] : memref<50x40xi32, #tpu.memory_space<vmem>> -> memref<1x40xi32, #tpu.memory_space<vmem>>
        %dma_wait3A_59 = tpu.memref_squeeze %dma_wait3A_58 : memref<1x40xi32, #tpu.memory_space<vmem>> -> memref<40xi32, #tpu.memory_space<vmem>>
        %dma_wait3A_60 = arith.constant 0 : i32
        %dma_wait3A_61 = arith.constant 0 : i32
        %dma_wait3A_62 = tpu.memref_slice %arg13[%dma_wait3A_60, %dma_wait3A_61] : memref<10240x128xf32, #tpu.memory_space<vmem_shared>> -> memref<10240x128xf32, #tpu.memory_space<vmem_shared>>
        tpu.wait_indirect_dma semaphore(%run_scoped3A_50 : memref<!tpu.dma_semaphore, #tpu.memory_space<semaphore_mem>>) src(%arg10 : memref<40x128xf32, #tpu.memory_space<vmem>>) dst(%dma_wait3A_62 : memref<10240x128xf32, #tpu.memory_space<vmem_shared>>)
        tpu.yield
      }) : () -> ()
    }
    %scan3A_7 = arith.constant 5 : i32
    %barrier3A_8 = arith.constant 0 : index
    tpu.barrier barrier_id(%barrier3A_8)
    %mul3A_9 = arith.constant 640 : i32
    %mul3A_10 = arith.muli %arg1, %mul3A_9 : i32
    %mul3A_11 = arith.constant 10240 : i32
    %mul3A_12 = arith.muli %arg0, %mul3A_11 : i32
    %mul3A_13 = arith.constant 640 : i32
    %mul3A_14 = arith.muli %arg1, %mul3A_13 : i32
    %add3A_15 = arith.addi %mul3A_12, %mul3A_14 : i32
    "tpu.region"() ({
      %run_scoped3A = tpu.sem_alloc : memref<!tpu.dma_semaphore, #tpu.memory_space<semaphore_mem>>
      %dma_start3A = arith.constant 0 : i32
      %dma_start3A_16 = tpu.memref_slice %arg6[%add3A_15, %dma_start3A] : memref<20480x128xf32, #tpu.memory_space<hbm>> -> memref<640x128xf32, #tpu.memory_space<hbm>>
      %dma_start3A_17 = arith.constant 0 : i32
      %dma_start3A_18 = tpu.memref_slice %arg13[%mul3A_10, %dma_start3A_17] : memref<10240x128xf32, #tpu.memory_space<vmem_shared>> -> memref<640x128xf32, #tpu.memory_space<vmem_shared>>
      tpu.enqueue_dma source(%dma_start3A_18 : memref<640x128xf32, #tpu.memory_space<vmem_shared>>) target(%dma_start3A_16 : memref<640x128xf32, #tpu.memory_space<hbm>>) target_semaphore(%run_scoped3A : memref<!tpu.dma_semaphore, #tpu.memory_space<semaphore_mem>>)
      %dma_wait3A = arith.constant 0 : i32
      %dma_wait3A_19 = tpu.memref_slice %arg6[%add3A_15, %dma_wait3A] : memref<20480x128xf32, #tpu.memory_space<hbm>> -> memref<640x128xf32, #tpu.memory_space<hbm>>
      %dma_wait3A_20 = arith.constant 0 : i32
      %dma_wait3A_21 = tpu.memref_slice %arg13[%mul3A_10, %dma_wait3A_20] : memref<10240x128xf32, #tpu.memory_space<vmem_shared>> -> memref<640x128xf32, #tpu.memory_space<vmem_shared>>
      tpu.wait_dma2 semaphore(%run_scoped3A : memref<!tpu.dma_semaphore, #tpu.memory_space<semaphore_mem>>) src(%dma_wait3A_21 : memref<640x128xf32, #tpu.memory_space<vmem_shared>>) dst(%dma_wait3A_19 : memref<640x128xf32, #tpu.memory_space<hbm>>)
      tpu.yield
    }) : () -> ()
    return
  }
}

#map = affine_map<(d0, d1) -> (0)>
module attributes {stable_mosaic.version = 14 : i64} {
  func.func @_sc_degree(%arg0: i32, %arg1: i32, %arg2: memref<320000xi32, #tpu.memory_space<hbm>>, %arg3: memref<10240xf32, #tpu.memory_space<hbm>>, %arg4: memref<327680xf32, #tpu.memory_space<hbm>>, %arg5: memref<10000xi32, #tpu.memory_space<vmem>>, %arg6: memref<10240xf32, #tpu.memory_space<vmem>>) attributes {dimension_semantics = [#tpu.dimension_semantics<core_parallel>, #tpu.dimension_semantics<subcore_parallel>], iteration_bounds = array<i64: 2, 16>, scalar_prefetch = 0 : i64, scratch_operands = 2 : i64, tpu.core_type = #tpu.core_type<sc_vector_subcore>, window_params = [{transform_indices = #map}, {transform_indices = #map}, {transform_indices = #map}]} {
    %mul3A = arith.constant 16 : i32
    %mul3A_0 = arith.muli %arg0, %mul3A : i32
    %add3A = arith.addi %mul3A_0, %arg1 : i32
    %mul3A_1 = arith.constant 10000 : i32
    %mul3A_2 = arith.muli %add3A, %mul3A_1 : i32
    "tpu.region"() ({
      %run_scoped3A = tpu.sem_alloc : memref<!tpu.dma_semaphore, #tpu.memory_space<semaphore_mem>>
      %dma_start3A = tpu.memref_slice %arg2[%mul3A_2] : memref<320000xi32, #tpu.memory_space<hbm>> -> memref<10000xi32, #tpu.memory_space<hbm>>
      %dma_start3A_11 = tpu.memref_slice %arg2[%mul3A_2] : memref<320000xi32, #tpu.memory_space<hbm>> -> memref<10000xi32, #tpu.memory_space<hbm>>
      tpu.enqueue_dma source(%dma_start3A_11 : memref<10000xi32, #tpu.memory_space<hbm>>) target(%arg5 : memref<10000xi32, #tpu.memory_space<vmem>>) target_semaphore(%run_scoped3A : memref<!tpu.dma_semaphore, #tpu.memory_space<semaphore_mem>>)
      %dma_wait3A = tpu.memref_slice %arg2[%mul3A_2] : memref<320000xi32, #tpu.memory_space<hbm>> -> memref<10000xi32, #tpu.memory_space<hbm>>
      %dma_wait3A_12 = tpu.memref_slice %arg2[%mul3A_2] : memref<320000xi32, #tpu.memory_space<hbm>> -> memref<10000xi32, #tpu.memory_space<hbm>>
      tpu.wait_dma2 semaphore(%run_scoped3A : memref<!tpu.dma_semaphore, #tpu.memory_space<semaphore_mem>>) src(%dma_wait3A_12 : memref<10000xi32, #tpu.memory_space<hbm>>) dst(%arg5 : memref<10000xi32, #tpu.memory_space<vmem>>)
      tpu.yield
    }) : () -> ()
    "tpu.region"() ({
      %run_scoped3A = tpu.sem_alloc : memref<!tpu.dma_semaphore, #tpu.memory_space<semaphore_mem>>
      tpu.enqueue_dma source(%arg3 : memref<10240xf32, #tpu.memory_space<hbm>>) target(%arg6 : memref<10240xf32, #tpu.memory_space<vmem>>) target_semaphore(%run_scoped3A : memref<!tpu.dma_semaphore, #tpu.memory_space<semaphore_mem>>)
      tpu.wait_dma2 semaphore(%run_scoped3A : memref<!tpu.dma_semaphore, #tpu.memory_space<semaphore_mem>>) src(%arg3 : memref<10240xf32, #tpu.memory_space<hbm>>) dst(%arg6 : memref<10240xf32, #tpu.memory_space<vmem>>)
      tpu.yield
    }) : () -> ()
    %broadcast_in_dim3A = arith.constant 1.000000e+00 : f32
    %broadcast_in_dim3A_3 = vector.broadcast %broadcast_in_dim3A : f32 to vector<16xf32>
    %scan3A = arith.constant 0 : i32
    %scan3A_4 = arith.constant 0 : i32
    %scan3A_5 = arith.constant 625 : i32
    %scan3A_6 = arith.addi %scan3A_4, %scan3A_5 : i32
    %scan3A_7 = arith.constant 1 : i32
    scf.for %scan3A_11 = %scan3A_4 to %scan3A_6 step %scan3A_7  : i32 {
      %mul3A_12 = arith.constant 16 : i32
      %mul3A_13 = arith.muli %scan3A_11, %mul3A_12 : i32
      %get3A = arith.index_cast %mul3A_13 : i32 to index
      %get3A_14 = tpu.vector_load %arg5[%get3A] {strides = array<i32>} : memref<10000xi32, #tpu.memory_space<vmem>>, vector<16xi32>,
      tpu.vector_store_idx %arg6[%get3A_14], %broadcast_in_dim3A_3 {add = true} : memref<10240xf32, #tpu.memory_space<vmem>>[vector<16xi32>], vector<16xf32>,
    }
    %scan3A_8 = arith.constant 625 : i32
    %mul3A_9 = arith.constant 10240 : i32
    %mul3A_10 = arith.muli %add3A, %mul3A_9 : i32
    "tpu.region"() ({
      %run_scoped3A = tpu.sem_alloc : memref<!tpu.dma_semaphore, #tpu.memory_space<semaphore_mem>>
      %dma_start3A = tpu.memref_slice %arg4[%mul3A_10] : memref<327680xf32, #tpu.memory_space<hbm>> -> memref<10240xf32, #tpu.memory_space<hbm>>
      %dma_start3A_11 = tpu.memref_slice %arg4[%mul3A_10] : memref<327680xf32, #tpu.memory_space<hbm>> -> memref<10240xf32, #tpu.memory_space<hbm>>
      tpu.enqueue_dma source(%arg6 : memref<10240xf32, #tpu.memory_space<vmem>>) target(%dma_start3A_11 : memref<10240xf32, #tpu.memory_space<hbm>>) target_semaphore(%run_scoped3A : memref<!tpu.dma_semaphore, #tpu.memory_space<semaphore_mem>>)
      %dma_wait3A = tpu.memref_slice %arg4[%mul3A_10] : memref<327680xf32, #tpu.memory_space<hbm>> -> memref<10240xf32, #tpu.memory_space<hbm>>
      %dma_wait3A_12 = tpu.memref_slice %arg4[%mul3A_10] : memref<327680xf32, #tpu.memory_space<hbm>> -> memref<10240xf32, #tpu.memory_space<hbm>>
      tpu.wait_dma2 semaphore(%run_scoped3A : memref<!tpu.dma_semaphore, #tpu.memory_space<semaphore_mem>>) src(%arg6 : memref<10240xf32, #tpu.memory_space<vmem>>) dst(%dma_wait3A_12 : memref<10240xf32, #tpu.memory_space<hbm>>)
      tpu.yield
    }) : () -> ()
    return
  }
}

#map = affine_map<(d0, d1) -> (0, 0)>
#map1 = affine_map<(d0, d1) -> (0, 0, 0, 0)>
module attributes {stable_mosaic.version = 14 : i64} {
  func.func @_sc_edge_agg(%arg0: i32, %arg1: i32, %arg2: memref<10000x128xf32, #tpu.memory_space<hbm>>, %arg3: memref<32x5x50x40xi32, #tpu.memory_space<hbm>>, %arg4: memref<32x5x50x40xi32, #tpu.memory_space<hbm>>, %arg5: memref<640x128xf32, #tpu.memory_space<hbm>>, %arg6: memref<20480x128xf32, #tpu.memory_space<hbm>>, %arg7: memref<50x40xi32, #tpu.memory_space<vmem>>, %arg8: memref<50x40xi32, #tpu.memory_space<vmem>>, %arg9: memref<40x128xf32, #tpu.memory_space<vmem>>, %arg10: memref<40x128xf32, #tpu.memory_space<vmem>>, %arg11: memref<!tpu.dma_semaphore, #tpu.memory_space<semaphore_mem>>, %arg12: memref<!tpu.dma_semaphore, #tpu.memory_space<semaphore_mem>>, %arg13: memref<10240x128xf32, #tpu.memory_space<vmem_shared>>) attributes {dimension_semantics = [#tpu.dimension_semantics<core_parallel>, #tpu.dimension_semantics<subcore_parallel>], iteration_bounds = array<i64: 2, 16>, scalar_prefetch = 0 : i64, scratch_operands = 7 : i64, tpu.core_type = #tpu.core_type<sc_vector_subcore>, window_params = [{transform_indices = #map}, {transform_indices = #map1}, {transform_indices = #map1}, {transform_indices = #map}, {transform_indices = #map}]} {
    %mul3A = arith.constant 16 : i32
    %mul3A_0 = arith.muli %arg0, %mul3A : i32
    %add3A = arith.addi %mul3A_0, %arg1 : i32
    %mul3A_1 = arith.constant 640 : i32
    %mul3A_2 = arith.muli %arg1, %mul3A_1 : i32
    "tpu.region"() ({
      %run_scoped3A = tpu.sem_alloc : memref<!tpu.dma_semaphore, #tpu.memory_space<semaphore_mem>>
      %dma_start3A = arith.constant 0 : i32
      %dma_start3A_16 = tpu.memref_slice %arg13[%mul3A_2, %dma_start3A] : memref<10240x128xf32, #tpu.memory_space<vmem_shared>> -> memref<640x128xf32, #tpu.memory_space<vmem_shared>>
      tpu.enqueue_dma source(%arg5 : memref<640x128xf32, #tpu.memory_space<hbm>>) target(%dma_start3A_16 : memref<640x128xf32, #tpu.memory_space<vmem_shared>>) target_semaphore(%run_scoped3A : memref<!tpu.dma_semaphore, #tpu.memory_space<semaphore_mem>>)
      %dma_wait3A = arith.constant 0 : i32
      %dma_wait3A_17 = tpu.memref_slice %arg13[%mul3A_2, %dma_wait3A] : memref<10240x128xf32, #tpu.memory_space<vmem_shared>> -> memref<640x128xf32, #tpu.memory_space<vmem_shared>>
      tpu.wait_dma2 semaphore(%run_scoped3A : memref<!tpu.dma_semaphore, #tpu.memory_space<semaphore_mem>>) src(%arg5 : memref<640x128xf32, #tpu.memory_space<hbm>>) dst(%dma_wait3A_17 : memref<640x128xf32, #tpu.memory_space<vmem_shared>>)
      tpu.yield
    }) : () -> ()
    %barrier3A = arith.constant 0 : index
    tpu.barrier barrier_id(%barrier3A)
    %scan3A = arith.constant 0 : i32
    %scan3A_3 = arith.constant 0 : i32
    %scan3A_4 = arith.constant 5 : i32
    %scan3A_5 = arith.addi %scan3A_3, %scan3A_4 : i32
    %scan3A_6 = arith.constant 1 : i32
    scf.for %scan3A_16 = %scan3A_3 to %scan3A_5 step %scan3A_6  : i32 {
      "tpu.region"() ({
        %run_scoped3A_50 = tpu.sem_alloc : memref<!tpu.dma_semaphore, #tpu.memory_space<semaphore_mem>>
        %dma_start3A_51 = arith.constant 0 : i32
        %dma_start3A_52 = arith.constant 0 : i32
        %dma_start3A_53 = arith.constant 0 : i32
        %dma_start3A_54 = tpu.memref_slice %arg3[%add3A, %dma_start3A_51, %dma_start3A_52, %dma_start3A_53] : memref<32x5x50x40xi32, #tpu.memory_space<hbm>> -> memref<1x5x50x40xi32, #tpu.memory_space<hbm>>
        %dma_start3A_55 = tpu.memref_squeeze %dma_start3A_54 : memref<1x5x50x40xi32, #tpu.memory_space<hbm>> -> memref<5x50x40xi32, #tpu.memory_space<hbm>>
        %dma_start3A_56 = arith.constant 0 : i32
        %dma_start3A_57 = arith.constant 0 : i32
        %dma_start3A_58 = tpu.memref_slice %dma_start3A_55[%scan3A_16, %dma_start3A_56, %dma_start3A_57] : memref<5x50x40xi32, #tpu.memory_space<hbm>> -> memref<1x50x40xi32, #tpu.memory_space<hbm>>
        %dma_start3A_59 = tpu.memref_squeeze %dma_start3A_58 : memref<1x50x40xi32, #tpu.memory_space<hbm>> -> memref<50x40xi32, #tpu.memory_space<hbm>>
        %dma_start3A_60 = arith.constant 0 : i32
        %dma_start3A_61 = arith.constant 0 : i32
        %dma_start3A_62 = arith.constant 0 : i32
        %dma_start3A_63 = tpu.memref_slice %arg3[%add3A, %dma_start3A_60, %dma_start3A_61, %dma_start3A_62] : memref<32x5x50x40xi32, #tpu.memory_space<hbm>> -> memref<1x5x50x40xi32, #tpu.memory_space<hbm>>
        %dma_start3A_64 = tpu.memref_squeeze %dma_start3A_63 : memref<1x5x50x40xi32, #tpu.memory_space<hbm>> -> memref<5x50x40xi32, #tpu.memory_space<hbm>>
        %dma_start3A_65 = arith.constant 0 : i32
        %dma_start3A_66 = arith.constant 0 : i32
        %dma_start3A_67 = tpu.memref_slice %dma_start3A_64[%scan3A_16, %dma_start3A_65, %dma_start3A_66] : memref<5x50x40xi32, #tpu.memory_space<hbm>> -> memref<1x50x40xi32, #tpu.memory_space<hbm>>
        %dma_start3A_68 = tpu.memref_squeeze %dma_start3A_67 : memref<1x50x40xi32, #tpu.memory_space<hbm>> -> memref<50x40xi32, #tpu.memory_space<hbm>>
        tpu.enqueue_dma source(%dma_start3A_68 : memref<50x40xi32, #tpu.memory_space<hbm>>) target(%arg7 : memref<50x40xi32, #tpu.memory_space<vmem>>) target_semaphore(%run_scoped3A_50 : memref<!tpu.dma_semaphore, #tpu.memory_space<semaphore_mem>>)
        %dma_wait3A_69 = arith.constant 0 : i32
        %dma_wait3A_70 = arith.constant 0 : i32
        %dma_wait3A_71 = arith.constant 0 : i32
        %dma_wait3A_72 = tpu.memref_slice %arg3[%add3A, %dma_wait3A_69, %dma_wait3A_70, %dma_wait3A_71] : memref<32x5x50x40xi32, #tpu.memory_space<hbm>> -> memref<1x5x50x40xi32, #tpu.memory_space<hbm>>
        %dma_wait3A_73 = tpu.memref_squeeze %dma_wait3A_72 : memref<1x5x50x40xi32, #tpu.memory_space<hbm>> -> memref<5x50x40xi32, #tpu.memory_space<hbm>>
        %dma_wait3A_74 = arith.constant 0 : i32
        %dma_wait3A_75 = arith.constant 0 : i32
        %dma_wait3A_76 = tpu.memref_slice %dma_wait3A_73[%scan3A_16, %dma_wait3A_74, %dma_wait3A_75] : memref<5x50x40xi32, #tpu.memory_space<hbm>> -> memref<1x50x40xi32, #tpu.memory_space<hbm>>
        %dma_wait3A_77 = tpu.memref_squeeze %dma_wait3A_76 : memref<1x50x40xi32, #tpu.memory_space<hbm>> -> memref<50x40xi32, #tpu.memory_space<hbm>>
        %dma_wait3A_78 = arith.constant 0 : i32
        %dma_wait3A_79 = arith.constant 0 : i32
        %dma_wait3A_80 = arith.constant 0 : i32
        %dma_wait3A_81 = tpu.memref_slice %arg3[%add3A, %dma_wait3A_78, %dma_wait3A_79, %dma_wait3A_80] : memref<32x5x50x40xi32, #tpu.memory_space<hbm>> -> memref<1x5x50x40xi32, #tpu.memory_space<hbm>>
        %dma_wait3A_82 = tpu.memref_squeeze %dma_wait3A_81 : memref<1x5x50x40xi32, #tpu.memory_space<hbm>> -> memref<5x50x40xi32, #tpu.memory_space<hbm>>
        %dma_wait3A_83 = arith.constant 0 : i32
        %dma_wait3A_84 = arith.constant 0 : i32
        %dma_wait3A_85 = tpu.memref_slice %dma_wait3A_82[%scan3A_16, %dma_wait3A_83, %dma_wait3A_84] : memref<5x50x40xi32, #tpu.memory_space<hbm>> -> memref<1x50x40xi32, #tpu.memory_space<hbm>>
        %dma_wait3A_86 = tpu.memref_squeeze %dma_wait3A_85 : memref<1x50x40xi32, #tpu.memory_space<hbm>> -> memref<50x40xi32, #tpu.memory_space<hbm>>
        tpu.wait_dma2 semaphore(%run_scoped3A_50 : memref<!tpu.dma_semaphore, #tpu.memory_space<semaphore_mem>>) src(%dma_wait3A_86 : memref<50x40xi32, #tpu.memory_space<hbm>>) dst(%arg7 : memref<50x40xi32, #tpu.memory_space<vmem>>)
        tpu.yield
      }) : () -> ()
      "tpu.region"() ({
        %run_scoped3A_50 = tpu.sem_alloc : memref<!tpu.dma_semaphore, #tpu.memory_space<semaphore_mem>>
        %dma_start3A_51 = arith.constant 0 : i32
        %dma_start3A_52 = arith.constant 0 : i32
        %dma_start3A_53 = arith.constant 0 : i32
        %dma_start3A_54 = tpu.memref_slice %arg4[%add3A, %dma_start3A_51, %dma_start3A_52, %dma_start3A_53] : memref<32x5x50x40xi32, #tpu.memory_space<hbm>> -> memref<1x5x50x40xi32, #tpu.memory_space<hbm>>
        %dma_start3A_55 = tpu.memref_squeeze %dma_start3A_54 : memref<1x5x50x40xi32, #tpu.memory_space<hbm>> -> memref<5x50x40xi32, #tpu.memory_space<hbm>>
        %dma_start3A_56 = arith.constant 0 : i32
        %dma_start3A_57 = arith.constant 0 : i32
        %dma_start3A_58 = tpu.memref_slice %dma_start3A_55[%scan3A_16, %dma_start3A_56, %dma_start3A_57] : memref<5x50x40xi32, #tpu.memory_space<hbm>> -> memref<1x50x40xi32, #tpu.memory_space<hbm>>
        %dma_start3A_59 = tpu.memref_squeeze %dma_start3A_58 : memref<1x50x40xi32, #tpu.memory_space<hbm>> -> memref<50x40xi32, #tpu.memory_space<hbm>>
        %dma_start3A_60 = arith.constant 0 : i32
        %dma_start3A_61 = arith.constant 0 : i32
        %dma_start3A_62 = arith.constant 0 : i32
        %dma_start3A_63 = tpu.memref_slice %arg4[%add3A, %dma_start3A_60, %dma_start3A_61, %dma_start3A_62] : memref<32x5x50x40xi32, #tpu.memory_space<hbm>> -> memref<1x5x50x40xi32, #tpu.memory_space<hbm>>
        %dma_start3A_64 = tpu.memref_squeeze %dma_start3A_63 : memref<1x5x50x40xi32, #tpu.memory_space<hbm>> -> memref<5x50x40xi32, #tpu.memory_space<hbm>>
        %dma_start3A_65 = arith.constant 0 : i32
        %dma_start3A_66 = arith.constant 0 : i32
        %dma_start3A_67 = tpu.memref_slice %dma_start3A_64[%scan3A_16, %dma_start3A_65, %dma_start3A_66] : memref<5x50x40xi32, #tpu.memory_space<hbm>> -> memref<1x50x40xi32, #tpu.memory_space<hbm>>
        %dma_start3A_68 = tpu.memref_squeeze %dma_start3A_67 : memref<1x50x40xi32, #tpu.memory_space<hbm>> -> memref<50x40xi32, #tpu.memory_space<hbm>>
        tpu.enqueue_dma source(%dma_start3A_68 : memref<50x40xi32, #tpu.memory_space<hbm>>) target(%arg8 : memref<50x40xi32, #tpu.memory_space<vmem>>) target_semaphore(%run_scoped3A_50 : memref<!tpu.dma_semaphore, #tpu.memory_space<semaphore_mem>>)
        %dma_wait3A_69 = arith.constant 0 : i32
        %dma_wait3A_70 = arith.constant 0 : i32
        %dma_wait3A_71 = arith.constant 0 : i32
        %dma_wait3A_72 = tpu.memref_slice %arg4[%add3A, %dma_wait3A_69, %dma_wait3A_70, %dma_wait3A_71] : memref<32x5x50x40xi32, #tpu.memory_space<hbm>> -> memref<1x5x50x40xi32, #tpu.memory_space<hbm>>
        %dma_wait3A_73 = tpu.memref_squeeze %dma_wait3A_72 : memref<1x5x50x40xi32, #tpu.memory_space<hbm>> -> memref<5x50x40xi32, #tpu.memory_space<hbm>>
        %dma_wait3A_74 = arith.constant 0 : i32
        %dma_wait3A_75 = arith.constant 0 : i32
        %dma_wait3A_76 = tpu.memref_slice %dma_wait3A_73[%scan3A_16, %dma_wait3A_74, %dma_wait3A_75] : memref<5x50x40xi32, #tpu.memory_space<hbm>> -> memref<1x50x40xi32, #tpu.memory_space<hbm>>
        %dma_wait3A_77 = tpu.memref_squeeze %dma_wait3A_76 : memref<1x50x40xi32, #tpu.memory_space<hbm>> -> memref<50x40xi32, #tpu.memory_space<hbm>>
        %dma_wait3A_78 = arith.constant 0 : i32
        %dma_wait3A_79 = arith.constant 0 : i32
        %dma_wait3A_80 = arith.constant 0 : i32
        %dma_wait3A_81 = tpu.memref_slice %arg4[%add3A, %dma_wait3A_78, %dma_wait3A_79, %dma_wait3A_80] : memref<32x5x50x40xi32, #tpu.memory_space<hbm>> -> memref<1x5x50x40xi32, #tpu.memory_space<hbm>>
        %dma_wait3A_82 = tpu.memref_squeeze %dma_wait3A_81 : memref<1x5x50x40xi32, #tpu.memory_space<hbm>> -> memref<5x50x40xi32, #tpu.memory_space<hbm>>
        %dma_wait3A_83 = arith.constant 0 : i32
        %dma_wait3A_84 = arith.constant 0 : i32
        %dma_wait3A_85 = tpu.memref_slice %dma_wait3A_82[%scan3A_16, %dma_wait3A_83, %dma_wait3A_84] : memref<5x50x40xi32, #tpu.memory_space<hbm>> -> memref<1x50x40xi32, #tpu.memory_space<hbm>>
        %dma_wait3A_86 = tpu.memref_squeeze %dma_wait3A_85 : memref<1x50x40xi32, #tpu.memory_space<hbm>> -> memref<50x40xi32, #tpu.memory_space<hbm>>
        tpu.wait_dma2 semaphore(%run_scoped3A_50 : memref<!tpu.dma_semaphore, #tpu.memory_space<semaphore_mem>>) src(%dma_wait3A_86 : memref<50x40xi32, #tpu.memory_space<hbm>>) dst(%arg8 : memref<50x40xi32, #tpu.memory_space<vmem>>)
        tpu.yield
      }) : () -> ()
      %dma_start3A = arith.constant 0 : i32
      %dma_start3A_17 = arith.constant 0 : i32
      %dma_start3A_18 = tpu.memref_slice %arg7[%dma_start3A, %dma_start3A_17] : memref<50x40xi32, #tpu.memory_space<vmem>> -> memref<1x40xi32, #tpu.memory_space<vmem>>
      %dma_start3A_19 = tpu.memref_squeeze %dma_start3A_18 : memref<1x40xi32, #tpu.memory_space<vmem>> -> memref<40xi32, #tpu.memory_space<vmem>>
      %dma_start3A_20 = arith.constant 0 : i32
      %dma_start3A_21 = arith.constant 0 : i32
      %dma_start3A_22 = tpu.memref_slice %arg2[%dma_start3A_20, %dma_start3A_21] : memref<10000x128xf32, #tpu.memory_space<hbm>> -> memref<10000x128xf32, #tpu.memory_space<hbm>>
      tpu.enqueue_indirect_dma source(%dma_start3A_22 : memref<10000x128xf32, #tpu.memory_space<hbm>>) target(%arg9 : memref<40x128xf32, #tpu.memory_space<vmem>>) offsets(%dma_start3A_19 : memref<40xi32, #tpu.memory_space<vmem>>) semaphore(%arg11 : memref<!tpu.dma_semaphore, #tpu.memory_space<semaphore_mem>>)
      %dma_start3A_23 = arith.constant 1 : i32
      %dma_start3A_24 = arith.constant 0 : i32
      %dma_start3A_25 = tpu.memref_slice %arg7[%dma_start3A_23, %dma_start3A_24] : memref<50x40xi32, #tpu.memory_space<vmem>> -> memref<1x40xi32, #tpu.memory_space<vmem>>
      %dma_start3A_26 = tpu.memref_squeeze %dma_start3A_25 : memref<1x40xi32, #tpu.memory_space<vmem>> -> memref<40xi32, #tpu.memory_space<vmem>>
      %dma_start3A_27 = arith.constant 0 : i32
      %dma_start3A_28 = arith.constant 0 : i32
      %dma_start3A_29 = tpu.memref_slice %arg2[%dma_start3A_27, %dma_start3A_28] : memref<10000x128xf32, #tpu.memory_space<hbm>> -> memref<10000x128xf32, #tpu.memory_space<hbm>>
      tpu.enqueue_indirect_dma source(%dma_start3A_29 : memref<10000x128xf32, #tpu.memory_space<hbm>>) target(%arg10 : memref<40x128xf32, #tpu.memory_space<vmem>>) offsets(%dma_start3A_26 : memref<40xi32, #tpu.memory_space<vmem>>) semaphore(%arg12 : memref<!tpu.dma_semaphore, #tpu.memory_space<semaphore_mem>>)
      %scan3A_30 = arith.constant 0 : i32
      %scan3A_31 = arith.constant 0 : i32
      %scan3A_32 = arith.constant 24 : i32
      %scan3A_33 = arith.addi %scan3A_31, %scan3A_32 : i32
      %scan3A_34 = arith.constant 1 : i32
      scf.for %scan3A_50 = %scan3A_31 to %scan3A_33 step %scan3A_34  : i32 {
        %mul3A_51 = arith.constant 2 : i32
        %mul3A_52 = arith.muli %mul3A_51, %scan3A_50 : i32
        %dma_wait3A_53 = arith.constant 0 : i32
        %dma_wait3A_54 = tpu.memref_slice %arg7[%mul3A_52, %dma_wait3A_53] : memref<50x40xi32, #tpu.memory_space<vmem>> -> memref<1x40xi32, #tpu.memory_space<vmem>>
        %dma_wait3A_55 = tpu.memref_squeeze %dma_wait3A_54 : memref<1x40xi32, #tpu.memory_space<vmem>> -> memref<40xi32, #tpu.memory_space<vmem>>
        %dma_wait3A_56 = arith.constant 0 : i32
        %dma_wait3A_57 = arith.constant 0 : i32
        %dma_wait3A_58 = tpu.memref_slice %arg2[%dma_wait3A_56, %dma_wait3A_57] : memref<10000x128xf32, #tpu.memory_space<hbm>> -> memref<10000x128xf32, #tpu.memory_space<hbm>>
        tpu.wait_indirect_dma semaphore(%arg11 : memref<!tpu.dma_semaphore, #tpu.memory_space<semaphore_mem>>) src(%dma_wait3A_58 : memref<10000x128xf32, #tpu.memory_space<hbm>>) dst(%arg9 : memref<40x128xf32, #tpu.memory_space<vmem>>)
        "tpu.region"() ({
          %run_scoped3A_85 = tpu.sem_alloc : memref<!tpu.dma_semaphore, #tpu.memory_space<semaphore_mem>>
          %dma_start3A_86 = arith.constant 0 : i32
          %dma_start3A_87 = tpu.memref_slice %arg8[%mul3A_52, %dma_start3A_86] : memref<50x40xi32, #tpu.memory_space<vmem>> -> memref<1x40xi32, #tpu.memory_space<vmem>>
          %dma_start3A_88 = tpu.memref_squeeze %dma_start3A_87 : memref<1x40xi32, #tpu.memory_space<vmem>> -> memref<40xi32, #tpu.memory_space<vmem>>
          %dma_start3A_89 = arith.constant 0 : i32
          %dma_start3A_90 = arith.constant 0 : i32
          %dma_start3A_91 = tpu.memref_slice %arg13[%dma_start3A_89, %dma_start3A_90] : memref<10240x128xf32, #tpu.memory_space<vmem_shared>> -> memref<10240x128xf32, #tpu.memory_space<vmem_shared>>
          tpu.enqueue_indirect_dma source(%arg9 : memref<40x128xf32, #tpu.memory_space<vmem>>) target(%dma_start3A_91 : memref<10240x128xf32, #tpu.memory_space<vmem_shared>>) offsets(%dma_start3A_88 : memref<40xi32, #tpu.memory_space<vmem>>) semaphore(%run_scoped3A_85 : memref<!tpu.dma_semaphore, #tpu.memory_space<semaphore_mem>>) {add = true}
          %dma_wait3A_92 = arith.constant 0 : i32
          %dma_wait3A_93 = tpu.memref_slice %arg8[%mul3A_52, %dma_wait3A_92] : memref<50x40xi32, #tpu.memory_space<vmem>> -> memref<1x40xi32, #tpu.memory_space<vmem>>
          %dma_wait3A_94 = tpu.memref_squeeze %dma_wait3A_93 : memref<1x40xi32, #tpu.memory_space<vmem>> -> memref<40xi32, #tpu.memory_space<vmem>>
          %dma_wait3A_95 = arith.constant 0 : i32
          %dma_wait3A_96 = arith.constant 0 : i32
          %dma_wait3A_97 = tpu.memref_slice %arg13[%dma_wait3A_95, %dma_wait3A_96] : memref<10240x128xf32, #tpu.memory_space<vmem_shared>> -> memref<10240x128xf32, #tpu.memory_space<vmem_shared>>
          tpu.wait_indirect_dma semaphore(%run_scoped3A_85 : memref<!tpu.dma_semaphore, #tpu.memory_space<semaphore_mem>>) src(%arg9 : memref<40x128xf32, #tpu.memory_space<vmem>>) dst(%dma_wait3A_97 : memref<10240x128xf32, #tpu.memory_space<vmem_shared>>)
          tpu.yield
        }) : () -> ()
        %add3A_59 = arith.constant 2 : i32
        %add3A_60 = arith.addi %mul3A_52, %add3A_59 : i32
        %dma_start3A_61 = arith.constant 0 : i32
        %dma_start3A_62 = tpu.memref_slice %arg7[%add3A_60, %dma_start3A_61] : memref<50x40xi32, #tpu.memory_space<vmem>> -> memref<1x40xi32, #tpu.memory_space<vmem>>
        %dma_start3A_63 = tpu.memref_squeeze %dma_start3A_62 : memref<1x40xi32, #tpu.memory_space<vmem>> -> memref<40xi32, #tpu.memory_space<vmem>>
        %dma_start3A_64 = arith.constant 0 : i32
        %dma_start3A_65 = arith.constant 0 : i32
        %dma_start3A_66 = tpu.memref_slice %arg2[%dma_start3A_64, %dma_start3A_65] : memref<10000x128xf32, #tpu.memory_space<hbm>> -> memref<10000x128xf32, #tpu.memory_space<hbm>>
        tpu.enqueue_indirect_dma source(%dma_start3A_66 : memref<10000x128xf32, #tpu.memory_space<hbm>>) target(%arg9 : memref<40x128xf32, #tpu.memory_space<vmem>>) offsets(%dma_start3A_63 : memref<40xi32, #tpu.memory_space<vmem>>) semaphore(%arg11 : memref<!tpu.dma_semaphore, #tpu.memory_space<semaphore_mem>>)
        %add3A_67 = arith.constant 1 : i32
        %add3A_68 = arith.addi %mul3A_52, %add3A_67 : i32
        %dma_wait3A_69 = arith.constant 0 : i32
        %dma_wait3A_70 = tpu.memref_slice %arg7[%add3A_68, %dma_wait3A_69] : memref<50x40xi32, #tpu.memory_space<vmem>> -> memref<1x40xi32, #tpu.memory_space<vmem>>
        %dma_wait3A_71 = tpu.memref_squeeze %dma_wait3A_70 : memref<1x40xi32, #tpu.memory_space<vmem>> -> memref<40xi32, #tpu.memory_space<vmem>>
        %dma_wait3A_72 = arith.constant 0 : i32
        %dma_wait3A_73 = arith.constant 0 : i32
        %dma_wait3A_74 = tpu.memref_slice %arg2[%dma_wait3A_72, %dma_wait3A_73] : memref<10000x128xf32, #tpu.memory_space<hbm>> -> memref<10000x128xf32, #tpu.memory_space<hbm>>
        tpu.wait_indirect_dma semaphore(%arg12 : memref<!tpu.dma_semaphore, #tpu.memory_space<semaphore_mem>>) src(%dma_wait3A_74 : memref<10000x128xf32, #tpu.memory_space<hbm>>) dst(%arg10 : memref<40x128xf32, #tpu.memory_space<vmem>>)
        %add3A_75 = arith.constant 1 : i32
        %add3A_76 = arith.addi %mul3A_52, %add3A_75 : i32
        "tpu.region"() ({
          %run_scoped3A_85 = tpu.sem_alloc : memref<!tpu.dma_semaphore, #tpu.memory_space<semaphore_mem>>
          %dma_start3A_86 = arith.constant 0 : i32
          %dma_start3A_87 = tpu.memref_slice %arg8[%add3A_76, %dma_start3A_86] : memref<50x40xi32, #tpu.memory_space<vmem>> -> memref<1x40xi32, #tpu.memory_space<vmem>>
          %dma_start3A_88 = tpu.memref_squeeze %dma_start3A_87 : memref<1x40xi32, #tpu.memory_space<vmem>> -> memref<40xi32, #tpu.memory_space<vmem>>
          %dma_start3A_89 = arith.constant 0 : i32
          %dma_start3A_90 = arith.constant 0 : i32
          %dma_start3A_91 = tpu.memref_slice %arg13[%dma_start3A_89, %dma_start3A_90] : memref<10240x128xf32, #tpu.memory_space<vmem_shared>> -> memref<10240x128xf32, #tpu.memory_space<vmem_shared>>
          tpu.enqueue_indirect_dma source(%arg10 : memref<40x128xf32, #tpu.memory_space<vmem>>) target(%dma_start3A_91 : memref<10240x128xf32, #tpu.memory_space<vmem_shared>>) offsets(%dma_start3A_88 : memref<40xi32, #tpu.memory_space<vmem>>) semaphore(%run_scoped3A_85 : memref<!tpu.dma_semaphore, #tpu.memory_space<semaphore_mem>>) {add = true}
          %dma_wait3A_92 = arith.constant 0 : i32
          %dma_wait3A_93 = tpu.memref_slice %arg8[%add3A_76, %dma_wait3A_92] : memref<50x40xi32, #tpu.memory_space<vmem>> -> memref<1x40xi32, #tpu.memory_space<vmem>>
          %dma_wait3A_94 = tpu.memref_squeeze %dma_wait3A_93 : memref<1x40xi32, #tpu.memory_space<vmem>> -> memref<40xi32, #tpu.memory_space<vmem>>
          %dma_wait3A_95 = arith.constant 0 : i32
          %dma_wait3A_96 = arith.constant 0 : i32
          %dma_wait3A_97 = tpu.memref_slice %arg13[%dma_wait3A_95, %dma_wait3A_96] : memref<10240x128xf32, #tpu.memory_space<vmem_shared>> -> memref<10240x128xf32, #tpu.memory_space<vmem_shared>>
          tpu.wait_indirect_dma semaphore(%run_scoped3A_85 : memref<!tpu.dma_semaphore, #tpu.memory_space<semaphore_mem>>) src(%arg10 : memref<40x128xf32, #tpu.memory_space<vmem>>) dst(%dma_wait3A_97 : memref<10240x128xf32, #tpu.memory_space<vmem_shared>>)
          tpu.yield
        }) : () -> ()
        %add3A_77 = arith.constant 3 : i32
        %add3A_78 = arith.addi %mul3A_52, %add3A_77 : i32
        %dma_start3A_79 = arith.constant 0 : i32
        %dma_start3A_80 = tpu.memref_slice %arg7[%add3A_78, %dma_start3A_79] : memref<50x40xi32, #tpu.memory_space<vmem>> -> memref<1x40xi32, #tpu.memory_space<vmem>>
        %dma_start3A_81 = tpu.memref_squeeze %dma_start3A_80 : memref<1x40xi32, #tpu.memory_space<vmem>> -> memref<40xi32, #tpu.memory_space<vmem>>
        %dma_start3A_82 = arith.constant 0 : i32
        %dma_start3A_83 = arith.constant 0 : i32
        %dma_start3A_84 = tpu.memref_slice %arg2[%dma_start3A_82, %dma_start3A_83] : memref<10000x128xf32, #tpu.memory_space<hbm>> -> memref<10000x128xf32, #tpu.memory_space<hbm>>
        tpu.enqueue_indirect_dma source(%dma_start3A_84 : memref<10000x128xf32, #tpu.memory_space<hbm>>) target(%arg10 : memref<40x128xf32, #tpu.memory_space<vmem>>) offsets(%dma_start3A_81 : memref<40xi32, #tpu.memory_space<vmem>>) semaphore(%arg12 : memref<!tpu.dma_semaphore, #tpu.memory_space<semaphore_mem>>)
      }
      %scan3A_35 = arith.constant 24 : i32
      %dma_wait3A = arith.constant 48 : i32
      %dma_wait3A_36 = arith.constant 0 : i32
      %dma_wait3A_37 = tpu.memref_slice %arg7[%dma_wait3A, %dma_wait3A_36] : memref<50x40xi32, #tpu.memory_space<vmem>> -> memref<1x40xi32, #tpu.memory_space<vmem>>
      %dma_wait3A_38 = tpu.memref_squeeze %dma_wait3A_37 : memref<1x40xi32, #tpu.memory_space<vmem>> -> memref<40xi32, #tpu.memory_space<vmem>>
      %dma_wait3A_39 = arith.constant 0 : i32
      %dma_wait3A_40 = arith.constant 0 : i32
      %dma_wait3A_41 = tpu.memref_slice %arg2[%dma_wait3A_39, %dma_wait3A_40] : memref<10000x128xf32, #tpu.memory_space<hbm>> -> memref<10000x128xf32, #tpu.memory_space<hbm>>
      tpu.wait_indirect_dma semaphore(%arg11 : memref<!tpu.dma_semaphore, #tpu.memory_space<semaphore_mem>>) src(%dma_wait3A_41 : memref<10000x128xf32, #tpu.memory_space<hbm>>) dst(%arg9 : memref<40x128xf32, #tpu.memory_space<vmem>>)
      %run_scoped3A = arith.constant 48 : i32
      "tpu.region"() ({
        %run_scoped3A_50 = tpu.sem_alloc : memref<!tpu.dma_semaphore, #tpu.memory_space<semaphore_mem>>
        %dma_start3A_51 = arith.constant 0 : i32
        %dma_start3A_52 = tpu.memref_slice %arg8[%run_scoped3A, %dma_start3A_51] : memref<50x40xi32, #tpu.memory_space<vmem>> -> memref<1x40xi32, #tpu.memory_space<vmem>>
        %dma_start3A_53 = tpu.memref_squeeze %dma_start3A_52 : memref<1x40xi32, #tpu.memory_space<vmem>> -> memref<40xi32, #tpu.memory_space<vmem>>
        %dma_start3A_54 = arith.constant 0 : i32
        %dma_start3A_55 = arith.constant 0 : i32
        %dma_start3A_56 = tpu.memref_slice %arg13[%dma_start3A_54, %dma_start3A_55] : memref<10240x128xf32, #tpu.memory_space<vmem_shared>> -> memref<10240x128xf32, #tpu.memory_space<vmem_shared>>
        tpu.enqueue_indirect_dma source(%arg9 : memref<40x128xf32, #tpu.memory_space<vmem>>) target(%dma_start3A_56 : memref<10240x128xf32, #tpu.memory_space<vmem_shared>>) offsets(%dma_start3A_53 : memref<40xi32, #tpu.memory_space<vmem>>) semaphore(%run_scoped3A_50 : memref<!tpu.dma_semaphore, #tpu.memory_space<semaphore_mem>>) {add = true}
        %dma_wait3A_57 = arith.constant 0 : i32
        %dma_wait3A_58 = tpu.memref_slice %arg8[%run_scoped3A, %dma_wait3A_57] : memref<50x40xi32, #tpu.memory_space<vmem>> -> memref<1x40xi32, #tpu.memory_space<vmem>>
        %dma_wait3A_59 = tpu.memref_squeeze %dma_wait3A_58 : memref<1x40xi32, #tpu.memory_space<vmem>> -> memref<40xi32, #tpu.memory_space<vmem>>
        %dma_wait3A_60 = arith.constant 0 : i32
        %dma_wait3A_61 = arith.constant 0 : i32
        %dma_wait3A_62 = tpu.memref_slice %arg13[%dma_wait3A_60, %dma_wait3A_61] : memref<10240x128xf32, #tpu.memory_space<vmem_shared>> -> memref<10240x128xf32, #tpu.memory_space<vmem_shared>>
        tpu.wait_indirect_dma semaphore(%run_scoped3A_50 : memref<!tpu.dma_semaphore, #tpu.memory_space<semaphore_mem>>) src(%arg9 : memref<40x128xf32, #tpu.memory_space<vmem>>) dst(%dma_wait3A_62 : memref<10240x128xf32, #tpu.memory_space<vmem_shared>>)
        tpu.yield
      }) : () -> ()
      %dma_wait3A_42 = arith.constant 49 : i32
      %dma_wait3A_43 = arith.constant 0 : i32
      %dma_wait3A_44 = tpu.memref_slice %arg7[%dma_wait3A_42, %dma_wait3A_43] : memref<50x40xi32, #tpu.memory_space<vmem>> -> memref<1x40xi32, #tpu.memory_space<vmem>>
      %dma_wait3A_45 = tpu.memref_squeeze %dma_wait3A_44 : memref<1x40xi32, #tpu.memory_space<vmem>> -> memref<40xi32, #tpu.memory_space<vmem>>
      %dma_wait3A_46 = arith.constant 0 : i32
      %dma_wait3A_47 = arith.constant 0 : i32
      %dma_wait3A_48 = tpu.memref_slice %arg2[%dma_wait3A_46, %dma_wait3A_47] : memref<10000x128xf32, #tpu.memory_space<hbm>> -> memref<10000x128xf32, #tpu.memory_space<hbm>>
      tpu.wait_indirect_dma semaphore(%arg12 : memref<!tpu.dma_semaphore, #tpu.memory_space<semaphore_mem>>) src(%dma_wait3A_48 : memref<10000x128xf32, #tpu.memory_space<hbm>>) dst(%arg10 : memref<40x128xf32, #tpu.memory_space<vmem>>)
      %run_scoped3A_49 = arith.constant 49 : i32
      "tpu.region"() ({
        %run_scoped3A_50 = tpu.sem_alloc : memref<!tpu.dma_semaphore, #tpu.memory_space<semaphore_mem>>
        %dma_start3A_51 = arith.constant 0 : i32
        %dma_start3A_52 = tpu.memref_slice %arg8[%run_scoped3A_49, %dma_start3A_51] : memref<50x40xi32, #tpu.memory_space<vmem>> -> memref<1x40xi32, #tpu.memory_space<vmem>>
        %dma_start3A_53 = tpu.memref_squeeze %dma_start3A_52 : memref<1x40xi32, #tpu.memory_space<vmem>> -> memref<40xi32, #tpu.memory_space<vmem>>
        %dma_start3A_54 = arith.constant 0 : i32
        %dma_start3A_55 = arith.constant 0 : i32
        %dma_start3A_56 = tpu.memref_slice %arg13[%dma_start3A_54, %dma_start3A_55] : memref<10240x128xf32, #tpu.memory_space<vmem_shared>> -> memref<10240x128xf32, #tpu.memory_space<vmem_shared>>
        tpu.enqueue_indirect_dma source(%arg10 : memref<40x128xf32, #tpu.memory_space<vmem>>) target(%dma_start3A_56 : memref<10240x128xf32, #tpu.memory_space<vmem_shared>>) offsets(%dma_start3A_53 : memref<40xi32, #tpu.memory_space<vmem>>) semaphore(%run_scoped3A_50 : memref<!tpu.dma_semaphore, #tpu.memory_space<semaphore_mem>>) {add = true}
        %dma_wait3A_57 = arith.constant 0 : i32
        %dma_wait3A_58 = tpu.memref_slice %arg8[%run_scoped3A_49, %dma_wait3A_57] : memref<50x40xi32, #tpu.memory_space<vmem>> -> memref<1x40xi32, #tpu.memory_space<vmem>>
        %dma_wait3A_59 = tpu.memref_squeeze %dma_wait3A_58 : memref<1x40xi32, #tpu.memory_space<vmem>> -> memref<40xi32, #tpu.memory_space<vmem>>
        %dma_wait3A_60 = arith.constant 0 : i32
        %dma_wait3A_61 = arith.constant 0 : i32
        %dma_wait3A_62 = tpu.memref_slice %arg13[%dma_wait3A_60, %dma_wait3A_61] : memref<10240x128xf32, #tpu.memory_space<vmem_shared>> -> memref<10240x128xf32, #tpu.memory_space<vmem_shared>>
        tpu.wait_indirect_dma semaphore(%run_scoped3A_50 : memref<!tpu.dma_semaphore, #tpu.memory_space<semaphore_mem>>) src(%arg10 : memref<40x128xf32, #tpu.memory_space<vmem>>) dst(%dma_wait3A_62 : memref<10240x128xf32, #tpu.memory_space<vmem_shared>>)
        tpu.yield
      }) : () -> ()
    }
    %scan3A_7 = arith.constant 5 : i32
    %barrier3A_8 = arith.constant 0 : index
    tpu.barrier barrier_id(%barrier3A_8)
    %mul3A_9 = arith.constant 640 : i32
    %mul3A_10 = arith.muli %arg1, %mul3A_9 : i32
    %mul3A_11 = arith.constant 10240 : i32
    %mul3A_12 = arith.muli %arg0, %mul3A_11 : i32
    %mul3A_13 = arith.constant 640 : i32
    %mul3A_14 = arith.muli %arg1, %mul3A_13 : i32
    %add3A_15 = arith.addi %mul3A_12, %mul3A_14 : i32
    "tpu.region"() ({
      %run_scoped3A = tpu.sem_alloc : memref<!tpu.dma_semaphore, #tpu.memory_space<semaphore_mem>>
      %dma_start3A = arith.constant 0 : i32
      %dma_start3A_16 = tpu.memref_slice %arg6[%add3A_15, %dma_start3A] : memref<20480x128xf32, #tpu.memory_space<hbm>> -> memref<640x128xf32, #tpu.memory_space<hbm>>
      %dma_start3A_17 = arith.constant 0 : i32
      %dma_start3A_18 = tpu.memref_slice %arg13[%mul3A_10, %dma_start3A_17] : memref<10240x128xf32, #tpu.memory_space<vmem_shared>> -> memref<640x128xf32, #tpu.memory_space<vmem_shared>>
      tpu.enqueue_dma source(%dma_start3A_18 : memref<640x128xf32, #tpu.memory_space<vmem_shared>>) target(%dma_start3A_16 : memref<640x128xf32, #tpu.memory_space<hbm>>) target_semaphore(%run_scoped3A : memref<!tpu.dma_semaphore, #tpu.memory_space<semaphore_mem>>)
      %dma_wait3A = arith.constant 0 : i32
      %dma_wait3A_19 = tpu.memref_slice %arg6[%add3A_15, %dma_wait3A] : memref<20480x128xf32, #tpu.memory_space<hbm>> -> memref<640x128xf32, #tpu.memory_space<hbm>>
      %dma_wait3A_20 = arith.constant 0 : i32
      %dma_wait3A_21 = tpu.memref_slice %arg13[%mul3A_10, %dma_wait3A_20] : memref<10240x128xf32, #tpu.memory_space<vmem_shared>> -> memref<640x128xf32, #tpu.memory_space<vmem_shared>>
      tpu.wait_dma2 semaphore(%run_scoped3A : memref<!tpu.dma_semaphore, #tpu.memory_space<semaphore_mem>>) src(%dma_wait3A_21 : memref<640x128xf32, #tpu.memory_space<vmem_shared>>) dst(%dma_wait3A_19 : memref<640x128xf32, #tpu.memory_space<hbm>>)
      tpu.yield
    }) : () -> ()
    return
  }
}

module attributes {stable_mosaic.version = 14 : i64} {
  func.func @_tc_first(%arg0: i32, %arg1: memref<2000x128xf32, #tpu.memory_space<vmem>>, %arg2: memref<128x128xf32, #tpu.memory_space<vmem>>, %arg3: memref<2000x32xf32, #tpu.memory_space<vmem>>, %arg4: memref<2000x128xf32, #tpu.memory_space<vmem>>, %arg5: memref<2000x1xf32, #tpu.memory_space<vmem>>) attributes {dimension_semantics = [#tpu.dimension_semantics<arbitrary>], iteration_bounds = array<i64: 5>, scalar_prefetch = 0 : i64, scratch_operands = 0 : i64, tpu.core_type = #tpu.core_type<tc>, window_params = [{transform_indices = @transform_0, window_bounds = array<i64: 2000, 128>}, {pipeline_mode = #tpu.pipeline_mode<synchronous>, transform_indices = @transform_1, window_bounds = array<i64: 128, 128>}, {transform_indices = @transform_2, window_bounds = array<i64: 2000, 32>}, {transform_indices = @transform_3, window_bounds = array<i64: 2000, 128>}, {transform_indices = @transform_4, window_bounds = array<i64: 2000, 1>}]} {
    %get3A = arith.constant 0 : index
    %get3A_0 = arith.constant 0 : index
    %get3A_1 = vector.load %arg3[%get3A, %get3A_0] : memref<2000x32xf32, #tpu.memory_space<vmem>>, vector<2000x32xf32>
    %reduce_sum3A = arith.constant dense<0.000000e+00> : vector<2000xf32>
    %reduce_sum3A_2 = vector.multi_reduction <add>, %get3A_1, %reduce_sum3A [1] : vector<2000x32xf32> to vector<2000xf32>
    %broadcast_in_dim3A = vector.shape_cast %reduce_sum3A_2 : vector<2000xf32> to vector<2000x1xf32>
    %add3A = arith.constant 1.000000e+00 : f32
    %add3A_3 = vector.broadcast %add3A : f32 to vector<2000x1xf32>
    %add3A_4 = arith.addf %broadcast_in_dim3A, %add3A_3 : vector<2000x1xf32>
    %rsqrt3A = math.rsqrt %add3A_4 : vector<2000x1xf32>
    %get3A_5 = arith.constant 0 : index
    %get3A_6 = arith.constant 0 : index
    %get3A_7 = vector.load %arg1[%get3A_5, %get3A_6] : memref<2000x128xf32, #tpu.memory_space<vmem>>, vector<2000x128xf32>
    %get3A_8 = arith.constant 0 : index
    %get3A_9 = arith.constant 0 : index
    %get3A_10 = vector.load %arg2[%get3A_8, %get3A_9] : memref<128x128xf32, #tpu.memory_space<vmem>>, vector<128x128xf32>
    %dot_general3A = arith.constant dense<0.000000e+00> : vector<2000x128xf32>
    %dot_general3A_11 = tpu.matmul %get3A_7, %get3A_10, %dot_general3A {dimension_numbers = #tpu.dot_dimension_numbers<[1], [0], [0], [1], [0, 0, 1, 1], [], []>, transpose_lhs_hint = false} : vector<2000x128xf32>, vector<128x128xf32>, vector<2000x128xf32> -> vector<2000x128xf32>
    %mul3A = vector.broadcast %rsqrt3A : vector<2000x1xf32> to vector<2000x128xf32>
    %mul3A_12 = arith.mulf %dot_general3A_11, %mul3A : vector<2000x128xf32>
    %swap3A = arith.constant 0 : index
    %swap3A_13 = arith.constant 0 : index
    %swap3A_14 = vector.load %arg4[%swap3A, %swap3A_13] : memref<2000x128xf32, #tpu.memory_space<vmem>>, vector<2000x128xf32>
    tpu.vector_store %arg4[%swap3A, %swap3A_13], %mul3A_12 {strides = array<i32>} : memref<2000x128xf32, #tpu.memory_space<vmem>>, vector<2000x128xf32>,
    %swap3A_15 = arith.constant 0 : index
    %swap3A_16 = arith.constant 0 : index
    %swap3A_17 = vector.load %arg5[%swap3A_15, %swap3A_16] : memref<2000x1xf32, #tpu.memory_space<vmem>>, vector<2000x1xf32>
    tpu.vector_store %arg5[%swap3A_15, %swap3A_16], %rsqrt3A {strides = array<i32>} : memref<2000x1xf32, #tpu.memory_space<vmem>>, vector<2000x1xf32>,
    return
  }
  func.func @transform_0(%arg0: i32) -> (i32, i32) {
    %c0_i32 = arith.constant 0 : i32
    %c0_i32_0 = arith.constant 0 : i32
    return %arg0, %c0_i32 : i32, i32
  }
  func.func @transform_1(%arg0: i32) -> (i32, i32) {
    %c0_i32 = arith.constant 0 : i32
    %c0_i32_0 = arith.constant 0 : i32
    %c0_i32_1 = arith.constant 0 : i32
    return %c0_i32, %c0_i32_0 : i32, i32
  }
  func.func @transform_2(%arg0: i32) -> (i32, i32) {
    %c0_i32 = arith.constant 0 : i32
    %c0_i32_0 = arith.constant 0 : i32
    return %arg0, %c0_i32 : i32, i32
  }
  func.func @transform_3(%arg0: i32) -> (i32, i32) {
    %c0_i32 = arith.constant 0 : i32
    %c0_i32_0 = arith.constant 0 : i32
    return %arg0, %c0_i32 : i32, i32
  }
  func.func @transform_4(%arg0: i32) -> (i32, i32) {
    %c0_i32 = arith.constant 0 : i32
    %c0_i32_0 = arith.constant 0 : i32
    return %arg0, %c0_i32 : i32, i32
  }
}

module attributes {stable_mosaic.version = 14 : i64} {
  func.func @_tc_mid(%arg0: i32, %arg1: memref<2x2000x128xf32, #tpu.memory_space<vmem>>, %arg2: memref<2000x128xf32, #tpu.memory_space<vmem>>, %arg3: memref<2000x1xf32, #tpu.memory_space<vmem>>, %arg4: memref<1x128xf32, #tpu.memory_space<vmem>>, %arg5: memref<128x128xf32, #tpu.memory_space<vmem>>, %arg6: memref<2000x128xf32, #tpu.memory_space<vmem>>) attributes {dimension_semantics = [#tpu.dimension_semantics<arbitrary>], iteration_bounds = array<i64: 5>, scalar_prefetch = 0 : i64, scratch_operands = 0 : i64, tpu.core_type = #tpu.core_type<tc>, window_params = [{transform_indices = @transform_0, window_bounds = array<i64: 2, 2000, 128>}, {transform_indices = @transform_1, window_bounds = array<i64: 2000, 128>}, {transform_indices = @transform_2, window_bounds = array<i64: 2000, 1>}, {pipeline_mode = #tpu.pipeline_mode<synchronous>, transform_indices = @transform_3, window_bounds = array<i64: 1, 128>}, {pipeline_mode = #tpu.pipeline_mode<synchronous>, transform_indices = @transform_4, window_bounds = array<i64: 128, 128>}, {transform_indices = @transform_5, window_bounds = array<i64: 2000, 128>}]} {
    %get3A = arith.constant 0 : index
    %get3A_0 = arith.constant 0 : index
    %get3A_1 = arith.constant 0 : index
    %get3A_2 = vector.load %arg1[%get3A, %get3A_0, %get3A_1] : memref<2x2000x128xf32, #tpu.memory_space<vmem>>, vector<2x2000x128xf32>
    %get3A_3 = arith.constant 0 : index
    %get3A_4 = arith.constant 0 : index
    %get3A_5 = vector.load %arg3[%get3A_3, %get3A_4] : memref<2000x1xf32, #tpu.memory_space<vmem>>, vector<2000x1xf32>
    %slice3A = vector.extract_strided_slice %get3A_2 {offsets = [0, 0, 0], sizes = [1, 2000, 128], strides = [1, 1, 1]} : vector<2x2000x128xf32> to vector<1x2000x128xf32>
    %squeeze3A = vector.shape_cast %slice3A : vector<1x2000x128xf32> to vector<2000x128xf32>
    %slice3A_6 = vector.extract_strided_slice %get3A_2 {offsets = [1, 0, 0], sizes = [1, 2000, 128], strides = [1, 1, 1]} : vector<2x2000x128xf32> to vector<1x2000x128xf32>
    %squeeze3A_7 = vector.shape_cast %slice3A_6 : vector<1x2000x128xf32> to vector<2000x128xf32>
    %add3A = arith.addf %squeeze3A, %squeeze3A_7 : vector<2000x128xf32>
    %get3A_8 = arith.constant 0 : index
    %get3A_9 = arith.constant 0 : index
    %get3A_10 = vector.load %arg2[%get3A_8, %get3A_9] : memref<2000x128xf32, #tpu.memory_space<vmem>>, vector<2000x128xf32>
    %add3A_11 = arith.addf %add3A, %get3A_10 : vector<2000x128xf32>
    %mul3A = vector.broadcast %get3A_5 : vector<2000x1xf32> to vector<2000x128xf32>
    %mul3A_12 = arith.mulf %add3A_11, %mul3A : vector<2000x128xf32>
    %get3A_13 = arith.constant 0 : index
    %get3A_14 = arith.constant 0 : index
    %get3A_15 = vector.load %arg4[%get3A_13, %get3A_14] : memref<1x128xf32, #tpu.memory_space<vmem>>, vector<1x128xf32>
    %add3A_16 = vector.broadcast %get3A_15 : vector<1x128xf32> to vector<2000x128xf32>
    %add3A_17 = arith.addf %mul3A_12, %add3A_16 : vector<2000x128xf32>
    %max3A = arith.constant 0.000000e+00 : f32
    %max3A_18 = vector.broadcast %max3A : f32 to vector<2000x128xf32>
    %max3A_19 = arith.maximumf %add3A_17, %max3A_18 : vector<2000x128xf32>
    %get3A_20 = arith.constant 0 : index
    %get3A_21 = arith.constant 0 : index
    %get3A_22 = vector.load %arg5[%get3A_20, %get3A_21] : memref<128x128xf32, #tpu.memory_space<vmem>>, vector<128x128xf32>
    %dot_general3A = arith.constant dense<0.000000e+00> : vector<2000x128xf32>
    %dot_general3A_23 = tpu.matmul %max3A_19, %get3A_22, %dot_general3A {dimension_numbers = #tpu.dot_dimension_numbers<[1], [0], [0], [1], [0, 0, 1, 1], [], []>, transpose_lhs_hint = false} : vector<2000x128xf32>, vector<128x128xf32>, vector<2000x128xf32> -> vector<2000x128xf32>
    %mul3A_24 = vector.broadcast %get3A_5 : vector<2000x1xf32> to vector<2000x128xf32>
    %mul3A_25 = arith.mulf %dot_general3A_23, %mul3A_24 : vector<2000x128xf32>
    %swap3A = arith.constant 0 : index
    %swap3A_26 = arith.constant 0 : index
    %swap3A_27 = vector.load %arg6[%swap3A, %swap3A_26] : memref<2000x128xf32, #tpu.memory_space<vmem>>, vector<2000x128xf32>
    tpu.vector_store %arg6[%swap3A, %swap3A_26], %mul3A_25 {strides = array<i32>} : memref<2000x128xf32, #tpu.memory_space<vmem>>, vector<2000x128xf32>,
    return
  }
  func.func @transform_0(%arg0: i32) -> (i32, i32, i32) {
    %c0_i32 = arith.constant 0 : i32
    %c0_i32_0 = arith.constant 0 : i32
    %c0_i32_1 = arith.constant 0 : i32
    return %c0_i32, %arg0, %c0_i32_0 : i32, i32, i32
  }
  func.func @transform_1(%arg0: i32) -> (i32, i32) {
    %c0_i32 = arith.constant 0 : i32
    %c0_i32_0 = arith.constant 0 : i32
    return %arg0, %c0_i32 : i32, i32
  }
  func.func @transform_2(%arg0: i32) -> (i32, i32) {
    %c0_i32 = arith.constant 0 : i32
    %c0_i32_0 = arith.constant 0 : i32
    return %arg0, %c0_i32 : i32, i32
  }
  func.func @transform_3(%arg0: i32) -> (i32, i32) {
    %c0_i32 = arith.constant 0 : i32
    %c0_i32_0 = arith.constant 0 : i32
    %c0_i32_1 = arith.constant 0 : i32
    return %c0_i32, %c0_i32_0 : i32, i32
  }
  func.func @transform_4(%arg0: i32) -> (i32, i32) {
    %c0_i32 = arith.constant 0 : i32
    %c0_i32_0 = arith.constant 0 : i32
    %c0_i32_1 = arith.constant 0 : i32
    return %c0_i32, %c0_i32_0 : i32, i32
  }
  func.func @transform_5(%arg0: i32) -> (i32, i32) {
    %c0_i32 = arith.constant 0 : i32
    %c0_i32_0 = arith.constant 0 : i32
    return %arg0, %c0_i32 : i32, i32
  }
}

module attributes {stable_mosaic.version = 14 : i64} {
  func.func @_tc_last(%arg0: i32, %arg1: memref<2x2000x128xf32, #tpu.memory_space<vmem>>, %arg2: memref<2000x128xf32, #tpu.memory_space<vmem>>, %arg3: memref<2000x1xf32, #tpu.memory_space<vmem>>, %arg4: memref<1x128xf32, #tpu.memory_space<vmem>>, %arg5: memref<128x1xf32, #tpu.memory_space<vmem>>, %arg6: memref<1x1xf32, #tpu.memory_space<vmem>>, %arg7: memref<2000x128xf32, #tpu.memory_space<vmem>>, %arg8: memref<2000x1xf32, #tpu.memory_space<vmem>>) attributes {dimension_semantics = [#tpu.dimension_semantics<arbitrary>], iteration_bounds = array<i64: 5>, scalar_prefetch = 0 : i64, scratch_operands = 0 : i64, tpu.core_type = #tpu.core_type<tc>, window_params = [{transform_indices = @transform_0, window_bounds = array<i64: 2, 2000, 128>}, {transform_indices = @transform_1, window_bounds = array<i64: 2000, 128>}, {transform_indices = @transform_2, window_bounds = array<i64: 2000, 1>}, {pipeline_mode = #tpu.pipeline_mode<synchronous>, transform_indices = @transform_3, window_bounds = array<i64: 1, 128>}, {pipeline_mode = #tpu.pipeline_mode<synchronous>, transform_indices = @transform_4, window_bounds = array<i64: 128, 1>}, {pipeline_mode = #tpu.pipeline_mode<synchronous>, transform_indices = @transform_5, window_bounds = array<i64: 1, 1>}, {transform_indices = @transform_6, window_bounds = array<i64: 2000, 128>}, {transform_indices = @transform_7, window_bounds = array<i64: 2000, 1>}]} {
    %get3A = arith.constant 0 : index
    %get3A_0 = arith.constant 0 : index
    %get3A_1 = arith.constant 0 : index
    %get3A_2 = vector.load %arg1[%get3A, %get3A_0, %get3A_1] : memref<2x2000x128xf32, #tpu.memory_space<vmem>>, vector<2x2000x128xf32>
    %slice3A = vector.extract_strided_slice %get3A_2 {offsets = [0, 0, 0], sizes = [1, 2000, 128], strides = [1, 1, 1]} : vector<2x2000x128xf32> to vector<1x2000x128xf32>
    %squeeze3A = vector.shape_cast %slice3A : vector<1x2000x128xf32> to vector<2000x128xf32>
    %slice3A_3 = vector.extract_strided_slice %get3A_2 {offsets = [1, 0, 0], sizes = [1, 2000, 128], strides = [1, 1, 1]} : vector<2x2000x128xf32> to vector<1x2000x128xf32>
    %squeeze3A_4 = vector.shape_cast %slice3A_3 : vector<1x2000x128xf32> to vector<2000x128xf32>
    %add3A = arith.addf %squeeze3A, %squeeze3A_4 : vector<2000x128xf32>
    %get3A_5 = arith.constant 0 : index
    %get3A_6 = arith.constant 0 : index
    %get3A_7 = vector.load %arg2[%get3A_5, %get3A_6] : memref<2000x128xf32, #tpu.memory_space<vmem>>, vector<2000x128xf32>
    %add3A_8 = arith.addf %add3A, %get3A_7 : vector<2000x128xf32>
    %get3A_9 = arith.constant 0 : index
    %get3A_10 = arith.constant 0 : index
    %get3A_11 = vector.load %arg3[%get3A_9, %get3A_10] : memref<2000x1xf32, #tpu.memory_space<vmem>>, vector<2000x1xf32>
    %mul3A = vector.broadcast %get3A_11 : vector<2000x1xf32> to vector<2000x128xf32>
    %mul3A_12 = arith.mulf %add3A_8, %mul3A : vector<2000x128xf32>
    %get3A_13 = arith.constant 0 : index
    %get3A_14 = arith.constant 0 : index
    %get3A_15 = vector.load %arg4[%get3A_13, %get3A_14] : memref<1x128xf32, #tpu.memory_space<vmem>>, vector<1x128xf32>
    %add3A_16 = vector.broadcast %get3A_15 : vector<1x128xf32> to vector<2000x128xf32>
    %add3A_17 = arith.addf %mul3A_12, %add3A_16 : vector<2000x128xf32>
    %max3A = arith.constant 0.000000e+00 : f32
    %max3A_18 = vector.broadcast %max3A : f32 to vector<2000x128xf32>
    %max3A_19 = arith.maximumf %add3A_17, %max3A_18 : vector<2000x128xf32>
    %swap3A = arith.constant 0 : index
    %swap3A_20 = arith.constant 0 : index
    %swap3A_21 = vector.load %arg7[%swap3A, %swap3A_20] : memref<2000x128xf32, #tpu.memory_space<vmem>>, vector<2000x128xf32>
    tpu.vector_store %arg7[%swap3A, %swap3A_20], %max3A_19 {strides = array<i32>} : memref<2000x128xf32, #tpu.memory_space<vmem>>, vector<2000x128xf32>,
    %get3A_22 = arith.constant 0 : index
    %get3A_23 = arith.constant 0 : index
    %get3A_24 = vector.load %arg5[%get3A_22, %get3A_23] : memref<128x1xf32, #tpu.memory_space<vmem>>, vector<128x1xf32>
    %dot_general3A = arith.constant dense<0.000000e+00> : vector<2000x1xf32>
    %dot_general3A_25 = tpu.matmul %max3A_19, %get3A_24, %dot_general3A {dimension_numbers = #tpu.dot_dimension_numbers<[1], [0], [0], [1], [0, 0, 1, 1], [], []>, transpose_lhs_hint = false} : vector<2000x128xf32>, vector<128x1xf32>, vector<2000x1xf32> -> vector<2000x1xf32>
    %get3A_26 = arith.constant 0 : index
    %get3A_27 = arith.constant 0 : index
    %get3A_28 = vector.load %arg6[%get3A_26, %get3A_27] : memref<1x1xf32, #tpu.memory_space<vmem>>, vector<1x1xf32>
    %add3A_29 = vector.broadcast %get3A_28 : vector<1x1xf32> to vector<2000x1xf32>
    %add3A_30 = arith.addf %dot_general3A_25, %add3A_29 : vector<2000x1xf32>
    %swap3A_31 = arith.constant 0 : index
    %swap3A_32 = arith.constant 0 : index
    %swap3A_33 = vector.load %arg8[%swap3A_31, %swap3A_32] : memref<2000x1xf32, #tpu.memory_space<vmem>>, vector<2000x1xf32>
    tpu.vector_store %arg8[%swap3A_31, %swap3A_32], %add3A_30 {strides = array<i32>} : memref<2000x1xf32, #tpu.memory_space<vmem>>, vector<2000x1xf32>,
    return
  }
  func.func @transform_0(%arg0: i32) -> (i32, i32, i32) {
    %c0_i32 = arith.constant 0 : i32
    %c0_i32_0 = arith.constant 0 : i32
    %c0_i32_1 = arith.constant 0 : i32
    return %c0_i32, %arg0, %c0_i32_0 : i32, i32, i32
  }
  func.func @transform_1(%arg0: i32) -> (i32, i32) {
    %c0_i32 = arith.constant 0 : i32
    %c0_i32_0 = arith.constant 0 : i32
    return %arg0, %c0_i32 : i32, i32
  }
  func.func @transform_2(%arg0: i32) -> (i32, i32) {
    %c0_i32 = arith.constant 0 : i32
    %c0_i32_0 = arith.constant 0 : i32
    return %arg0, %c0_i32 : i32, i32
  }
  func.func @transform_3(%arg0: i32) -> (i32, i32) {
    %c0_i32 = arith.constant 0 : i32
    %c0_i32_0 = arith.constant 0 : i32
    %c0_i32_1 = arith.constant 0 : i32
    return %c0_i32, %c0_i32_0 : i32, i32
  }
  func.func @transform_4(%arg0: i32) -> (i32, i32) {
    %c0_i32 = arith.constant 0 : i32
    %c0_i32_0 = arith.constant 0 : i32
    %c0_i32_1 = arith.constant 0 : i32
    return %c0_i32, %c0_i32_0 : i32, i32
  }
  func.func @transform_5(%arg0: i32) -> (i32, i32) {
    %c0_i32 = arith.constant 0 : i32
    %c0_i32_0 = arith.constant 0 : i32
    %c0_i32_1 = arith.constant 0 : i32
    return %c0_i32, %c0_i32_0 : i32, i32
  }
  func.func @transform_6(%arg0: i32) -> (i32, i32) {
    %c0_i32 = arith.constant 0 : i32
    %c0_i32_0 = arith.constant 0 : i32
    return %arg0, %c0_i32 : i32, i32
  }
  func.func @transform_7(%arg0: i32) -> (i32, i32) {
    %c0_i32 = arith.constant 0 : i32
    %c0_i32_0 = arith.constant 0 : i32
    return %arg0, %c0_i32 : i32, i32
  }
}

</mosaic_0001>

<sc_bundles>
// kernel: kernel.11.cloned.1.call-start
scs
__scs_entry_jumppad:
0x0: {  	(pc) =	sbr.rel $0x88, $3  }
0x1: {  	(tag) =	ssettag $0x0;
	lr =	simm.s32 $0x1  }
0x2: {  	[smem:$0x3F99] =	sst lr;
	_ =	strace $0xD0000000  }
0x3: {  	_ = 	snop  }
0x4: {  	_ = 	snop  }
0x5: {  	_ = 	snop  }
0x6: {  	_ = 	snop  }
0x7: {  	_ = 	snop  }
__scs_overlays_trampoline_lowered:
0x8: {  	[smem:$0x3FA8] =	sst s0  }
0x9: {  	[smem:$0x3FA9] =	sst s1  }
0xa: {  	[smem:$0x3FAA] =	sst s2  }
0xb: {  	[smem:$0x3FAB] =	sst s3  }
0xc: {  	[smem:$0x3FAC] =	sst s4  }
0xd: {  	[smem:$0x3FAD] =	sst s5  }
0xe: {  	[smem:$0x3FAE] =	sst s6  }
0xf: {  	[smem:$0x3FAF] =	sst s7  }
0x10: {  	[smem:$0x3FB0] =	sst s8  }
0x11: {  	[smem:$0x3FB1] =	sst s9;
	s0 =	simm.s32 @!p0 $0x0  }
0x12: {  	s1 =	sld [smem:$0x3F97];
	s0 =	simm.s32 @p0 $0x1  }
0x13: {  	[smem:$0x3FB2] =	sst s0;
	s0 =	simm.s32 @!p1 $0x0  }
0x14: {  	s2 =	sld [smem:$0x3F96];
	s0 =	simm.s32 @p1 $0x1  }
0x15: {  	[smem:$0x3FB3] =	sst s0;
	s0 =	simm.s32 @!p2 $0x0  }
0x16: {  	s3 =	sld [smem:$0x3FDB];
	s0 =	simm.s32 @p2 $0x1  }
0x17: {  	s4 =	simm.s32 $0x1BF5;
	[smem:$0x3FB5] =	sst s0  }
0x18: {  	s0 =	sld [smem:$0x3F98];
	_ =	swait.ge [sflag:s4], $0x0  }
0x19: {  	s7 =	sld [smem:$0x3F99]  }
0x1a: {  	s8 =	sadd.s32 $0xFFFFE003, lr  }
0x1b: {  	s9 =	sadd.s32 $0xFFFFFEF7, lr;
	s5 =	simm.s32 $0xFFFFFFFF;
	p2 =	slt.u32 s8, $0xFFFFF086  }
0x1c: {  	p1 =	slt.u32 s9, $0xF7A;
	s5 =	simm.s32 @!p2 $0x0  }
0x1d: {  	s5 =	simm.s32 @p1 $0x1;
	p0 =	seq.s32 s7, s2  }
0x1e: {  	s7 =	smul.u32 @!p0 $0xF7A, s2;
	p2 =	seq.s32 @!p0 s5, $0x0  }
0x1f: {  	s9 =	smul.u32 $0xF7A, s1;
	s8 =	simm.s32 @!p0 $0x1BF5;
	p2 =	por !p2, p0  }
0x20: {  	[sflag:s8] =	ssyncset.s32 @!p0 $0xFFFFF086;
	s6 =	sadd.s32 @!p0 s3, s7;
	s7 =	simm.s32 @!p0 $0x108  }
0x21: {  	s3 =	sadd.s32 s3, s9;
	s6 =	sadd.s32 @!p0 $0x88, s6;
	s7 =	simm.s32 @p2 $0x1082  }
0x22: {  	[simem:s7], [sflag:s8] =	dma.local @!p0 [hbm:s6], $0xF7A  }
0x23: {  	s9 =	sor.u32 $0xD0000000, s2;
	s6 =	simm.s32 $0x108;
	_ =	swait.ge @!p0 [sflag:s8], $0x0  }
0x24: {  	s3 =	sadd.s32 $0x88, s3;
	s6 =	simm.s32 @!p1 $0x1082;
	[sflag:s4] =	ssyncset.s32 $0xFFFFF086  }
0x25: {  	[simem:s6], [sflag:s4] =	dma.local [hbm:s3], $0xF7A  }
0x26: {  	[smem:$0x3F99] =	sst s1;
	(tag) =	ssettag s2;
	_ =	strace s9  }
0x27: {  	s1 =	sld [smem:$0x3FA9]  }
0x28: {  	s2 =	sld [smem:$0x3FAA]  }
0x29: {  	s4 =	sld [smem:$0x3FAC]  }
0x2a: {  	p0 =	seq.s32 s5, $0x0;
	s5 =	sld [smem:$0x3FAD]  }
0x2b: {  	s6 =	sld [smem:$0x3FAE]  }
0x2c: {  	s7 =	sld [smem:$0x3FAF]  }
0x2d: {  	s3 =	simm.s32 $0x108;
	s8 =	sld [smem:$0x3FB0]  }
0x2e: {  	s3 =	simm.s32 @!p0 $0x1082;
	s9 =	sld [smem:$0x3FB1]  }
0x2f: {  	lr =	sadd.s32 s0, s3;
	s0 =	sld [smem:$0x3FA8]  }
0x30: {  	s3 =	sld [smem:$0x3FAB]  }
0x31: {  	[smem:$0x3FB4] =	sst s10  }
0x32: {  	s10 =	sld [smem:$0x3FB2];
	_ =	sdelay $0x3  }
0x33: {  	p0 =	seq.s32 s10, $0x1;
	s10 =	sld [smem:$0x3FB4];
	_ =	sdelay $0x3  }
0x34: {  	[smem:$0x3FB4] =	sst s10  }
0x35: {  	s10 =	sld [smem:$0x3FB3];
	_ =	sdelay $0x3  }
0x36: {  	p1 =	seq.s32 s10, $0x1;
	s10 =	sld [smem:$0x3FB4];
	_ =	sdelay $0x3  }
0x37: {  	[smem:$0x3FB4] =	sst s10  }
0x38: {  	s10 =	sld [smem:$0x3FB5]  }
0x39: {  	_ = 	snop;
	(pc) =	sbr.ind lr, $3  }
0x3a: {  	_ = 	snop  }
0x3b: {  	_ = 	snop  }
0x3c: {  	p2 =	seq.s32 s10, $0x1;
	s10 =	sld [smem:$0x3FB4]  }
0x3d: {  	_ =	shalt  }
0x3e: {  	_ =	shalt  }
0x3f: {  	_ =	shalt  }
0x40: {  	_ =	shalt  }
0x41: {  	_ =	shalt  }
0x42: {  	_ =	shalt  }
0x43: {  	_ =	shalt  }
0x44: {  	_ =	shalt  }
0x45: {  	_ =	shalt  }
0x46: {  	_ =	shalt  }
0x47: {  	_ =	shalt  }
0x48: {  	_ =	shalt  }
0x49: {  	_ =	shalt  }
0x4a: {  	_ =	shalt  }
0x4b: {  	_ =	shalt  }
0x4c: {  	_ =	shalt  }
0x4d: {  	_ =	shalt  }
0x4e: {  	_ =	shalt  }
0x4f: {  	_ =	shalt  }
0x50: {  	_ =	shalt  }
0x51: {  	_ =	shalt  }
0x52: {  	_ =	shalt  }
0x53: {  	_ =	shalt  }
0x54: {  	_ =	shalt  }
0x55: {  	_ =	shalt  }
0x56: {  	_ =	shalt  }
0x57: {  	_ =	shalt  }
0x58: {  	_ =	shalt  }
0x59: {  	_ =	shalt  }
0x5a: {  	_ =	shalt  }
0x5b: {  	_ =	shalt  }
0x5c: {  	_ =	shalt  }
0x5d: {  	_ =	shalt  }
0x5e: {  	_ =	shalt  }
0x5f: {  	_ =	shalt  }
0x60: {  	_ =	shalt  }
0x61: {  	_ =	shalt  }
0x62: {  	_ =	shalt  }
0x63: {  	_ =	shalt  }
0x64: {  	_ =	shalt  }
0x65: {  	_ =	shalt  }
0x66: {  	_ =	shalt  }
0x67: {  	_ =	shalt  }
0x68: {  	_ =	shalt  }
0x69: {  	_ =	shalt  }
0x6a: {  	_ =	shalt  }
0x6b: {  	_ =	shalt  }
0x6c: {  	_ =	shalt  }
0x6d: {  	_ =	shalt  }
0x6e: {  	_ =	shalt  }
0x6f: {  	_ =	shalt  }
0x70: {  	_ =	shalt  }
0x71: {  	_ =	shalt  }
0x72: {  	_ =	shalt  }
0x73: {  	_ =	shalt  }
0x74: {  	_ =	shalt  }
0x75: {  	_ =	shalt  }
0x76: {  	_ =	shalt  }
0x77: {  	_ =	shalt  }
0x78: {  	_ =	shalt  }
0x79: {  	_ =	shalt  }
0x7a: {  	_ =	shalt  }
0x7b: {  	_ =	shalt  }
0x7c: {  	_ =	shalt  }
0x7d: {  	_ =	shalt  }
0x7e: {  	_ =	shalt  }
0x7f: {  	_ =	shalt  }
0x80: {  	_ =	shalt  }
0x81: {  	_ =	shalt  }
0x82: {  	_ =	shalt  }
0x83: {  	_ =	shalt  }
0x84: {  	_ =	shalt  }
0x85: {  	_ =	shalt  }
0x86: {  	_ =	shalt  }
0x87: {  	_ =	shalt  }
.Lfunc_end0:
.L_simem_size_0:
called_computation.1_lowered:
.L_overlay_start_0:
0x88: {  	s2 =	sld [smem:$0x3FD9]  }
0x89: {  	s3 =	sld [smem:$0x3FFE];
	_ =	sdelay $0x1  }
0x8a: {  	s1 =	srdreg.scid  }
0x8b: {  	s0 =	sand.u32 $0x1, s1  }
0x8c: {  	s14 =	sshll.u32 s0, $0xA;
	s2 =	sadd.s32 s3, s2  }
0x8d: {  	s2 =	sadd.s32 s2, s14  }
0x8e: {  	[smem:$0x3FC0] =	sst s2  }
0x8f: {  	_ = 	snop  }
0x90: {  	s2 =	sld [smem:$0x3FD0];
	_ =	sdelay $0x2  }
0x91: {  	s15 =	simm.s32 $0xA;
	s4 =	simm.s32 $0x10  }
0x92: {  	[smem:s4], [sflag:s15] =	dma.local [hbm:s2], $0x1  }
0x93: {  	_ =	swait.eq [sflag:s15], $0x1  }
0x94: {  	[sflag:s15] =	ssyncset.done $0x0  }
0x95: {  	[sflag:s15] =	ssyncadd.s32 $0xFFFFFFFF  }
0x96: {  	s16 =	sld [smem:$0x11];
	(tm) =	ssettm $0x1  }
0x97: {  	s17 =	sld [smem:$0x3FFB];
	_ =	sdelay $0x3  }
0x98: {  	_ =	strace s17  }
0x99: {  	s3 =	sld [smem:$0x3FFC];
	_ =	sdelay $0x3  }
0x9a: {  	_ =	strace s3  }
0x9b: {  	s3 =	sld [smem:$0x3FFD];
	_ =	sdelay $0x3  }
0x9c: {  	_ =	strace s3  }
0x9d: {  	_ =	strace $0x8FFFFFFF  }
0x9e: {  	s18 =	sld [smem:$0x3FDB];
	_ =	sdelay $0x1  }
0x9f: {  	s19 =	simm.s32 $_scs_section_size  }
0xa0: {  	s5 =	simm.s32 $_size__tile_overlayer_lowered;
	s6 =	simm.s32 $_tile_overlayer_lowered  }
0xa1: {  	s22 =	simm.s32 $0x1BFF;
	s21 =	sshll.u32 s6, $0x1;
	s3 =	sadd.s32 s19, s18  }
0xa2: {  	s7 =	simm.s32 $0x0;
	s20 =	sshll.u32 s5, $0x1;
	s5 =	sadd.s32 s21, s3  }
0xa3: {  	[timem:s7], [sflag:s22] =	dma.local [hbm:s5], s20  }
0xa4: {  	_ =	swait.ge [sflag:s22], s20  }
0xa5: {  	s4 =	ssub.s32 $0x0, s20;
	[sflag:s22] =	ssyncset.done $0x0  }
0xa6: {  	[sflag:s22] =	ssyncadd.s32 s4;
	_ =	sdelay $0x1  }
0xa7: {  	s23 =	simm.s32 $0x1B8B  }
0xa8: {  	_ =	swait.ge [sflag:s23], $0x1  }
0xa9: {  	[sflag:s23] =	ssyncset.done $0x0  }
0xaa: {  	s25 =	simm.s32 $0x1B8E;
	s24 =	sld [smem:$0x3FFE];
	[sflag:s23] =	ssyncadd.s32 $0xFFFFFFFF  }
0xab: {  	s26 =	simm.s32 $execute0_lowered;
	[smem:$0x3FD2] =	sst s25  }
0xac: {  	s5 =	sshll.u32 s26, $0x1;
	_ =	strace $0x80000049;
	[dreg:$0x1] =	wrdreg $0xFFFFFFFF  }
0xad: {  	s28 =	simm.s32 $_size_execute0_lowered;
	s3 =	sadd.s32 s3, s5;
	[dreg:$0x0] =	wrdreg $0x0  }
0xae: {  	s5 =	sshll.u32 s28, $0x1;
	[dreg:$0x2] =	wrdreg s3  }
0xaf: {  	[dreg:$0x3] =	wrdreg s5  }
0xb0: {  	[dreg:$0x4] =	wrdreg $0xC0  }
0xb1: {  	_ =	task [dreg:s7], $0x5FFFF  }
0xb2: {  	[dreg:$0x1] =	wrdreg $0xFFFFFFFF  }
0xb3: {  	[dreg:$0x0] =	wrdreg $0x60  }
0xb4: {  	[dreg:$0x2] =	wrdreg s16  }
0xb5: {  	[dreg:$0x3] =	wrdreg s24  }
0xb6: {  	[dreg:$0x4] =	wrdreg $0x60000  }
0xb7: {  	[dreg:$0x5] =	wrdreg $0x9  }
0xb8: {  	_ =	task.clear_ibuf [dreg:s7], $0x6FFFF;
	_ =	strace $0x90000049  }
0xb9: {  	s29 =	simm.s32 $0x9;
	_ =	strace $0x8000004B  }
0xba: {  	_ =	swait.ge [sflag:s29], $0x1  }
0xbb: {  	[sflag:s29] =	ssyncadd.s32 $0xFFFFFFFF  }
0xbc: {  	_ =	strace $0x9000004B  }
0xbd: {  	_ =	sfence  }
0xbe: {  	s30 =	sld [smem:$0x0];
	_ =	sdelay $0x2  }
0xbf: {  	s31 =	sshll.u32 s1, $0xD;
	s1 =	sshrl.u32 s1, $0x2  }
0xc0: {  	s3 =	sand.u32 $0x4000, s31;
	s1 =	sadd.s32 s1, s30  }
0xc1: {  	s0 =	sor.u32 s3, s0;
	s1 =	sshll.u32 s1, $0x11  }
0xc2: {  	s0 =	sor.u32 s1, s0  }
0xc3: {  	s0 =	sadd.s32 $0x8F2B, s0  }
0xc4: {  	[sflag:s0] =	ssyncadd.remote.s32 $0x1  }
0xc5: {  	_ =	sfence.sel $0xFFFF  }
0xc6: {  	[dreg:$0x0] =	wrdreg $0xFFFFFFFF;
	(pc) =	sbr.abs _section_cstart, $3  }
0xc7: {  	[dreg:$0x1] =	wrdreg $0xFFFFFFFF  }
0xc8: {  	_ =	task.clear_ibuf [dreg:s7], $0x2FFFF;
	_ =	strace $0x9FFFFFFF  }
0xc9: {  	(tm) =	ssettm $0x7FFFFFFF  }
tec
execute0_lowered:
.L_overlay_start_1:
0x0: {  	(tag) =	ssettag $0x1  }
0x1: {  	s1 =	rddreg [dreg:$0x0]  }
0x2: {  	s0 =	srdreg.scid;
	s7 =	rddreg [dreg:$0x1]  }
0x3: {  	s3 =	rddreg [dreg:$0x2];
	s4 =	simm.s32 $0x0;
	s14 =	simm.s32 $0x28  }
0x4: {  	s15 =	simm.s32 $0x3800;
	s16 =	simm.s32 $0x80;
	s17 =	simm.s32 $0x4C00  }
0x5: {  	s18 =	simm.s32 $0x1;
	s6 =	sand.u32 $0x1, s0;
	s0 =	stileid.u32  }
0x6: {  	s19 =	simm.s32 $0x2;
	s20 =	simm.s32 $0x3400;
	s8 =	smul.u32 $0x2800, s0  }
0x7: {  	s21 =	simm.s32 $0x3480;
	[smem:$0x7FF] =	sst s4;
	s9 =	smul.u32 $0x28000, s6  }
0x8: {  	s2 =	sshll.u32 s6, $0x4;
	s28 =	smul.u32 $0x50000, s0;
	s6 =	ssub.s32 $0x2, s6  }
0x9: {  	s31 =	sshll.u32 s0, $0x6;
	s2 =	sor.u32 s0, s2;
	s29 =	sshrl.u32 s6, $0x1  }
0xa: {  	s5 =	smul.u32 $0x1180, s2;
	s2 =	rddreg [dreg:$0x3];
	_ =	strace $0x8000004A  }
0xb: {  	s8 =	sadd.s32 s8, s9;
	s30 =	sshrl.u32 s28, $0x2;
	s12 =	ssub.s32 s6, s29  }
0xc: {  	s6 =	sor.u32 $0x1C03, s31;
	s11 =	sadd.s32 s8, s7;
	s13 =	sadd.s32 s30, s3  }
0xd: {  	s10 =	sadd.s32 s5, s7;
	s5 =	sadd.s32 $0x1E00, s7;
	s9 =	sadd.s32 $0x51C00, s11  }
0xe: {  	s11 =	sshrl.u32 s13, $0x3;
	s13 =	simm.s32 $0x1C00;
	s7 =	sadd.s32 $0x2EC00, s10  }
0xf: {  	s8 =	sadd.s32 $0xBC00, s10;
	s10 =	smax.u32 s12, $0x1;
	s12 =	simm.s32 $0x3  }
.LBB2_1:
0x10: {  	[spmem:s11], [sflag:s6] =	dma.local [hbm:s5], $0x2800  }
0x11: {  	_ =	swait.ge [sflag:s12], $0x2800  }
0x12: {  	[sflag:s12] =	ssyncset.done $0x0  }
0x13: {  	[sflag:s12] =	ssyncadd.s32 $0xFFFFD800  }
0x14: {  	s22 =	simm.s32 $0x0;
	[bflag:$0x0] =	sbarrier.arrive $0xFFFF  }
.LBB2_2:
0x15: {  	s23 =	smul.u32 $0x380, s22;
	_ =	sdelay $0x1  }
0x16: {  	s25 =	simm.s32 $0x0;
	s24 =	sadd.s32 s23, s7  }
0x17: {  	[tilespmem:s25], [sflag:$0x3] =	stream.linear.gather [hbm4b:s24+s25], $0x1900, $0x38;
	[tilespmem:$0x1A000] =	vst v63  }
0x18: {  	_ =	swait.ge [sflag:s12], $0x1900  }
0x19: {  	[sflag:s12] =	ssyncset.done $0x0  }
0x1a: {  	s23 =	sadd.s32 s23, s8;
	[sflag:s12] =	ssyncadd.s32 $0xFFFFE700  }
0x1b: {  	[tilespmem:s13], [sflag:$0x3] =	stream.linear.gather [hbm4b:s23+s25], $0x1900, $0x38;
	[tilespmem:$0x1A000] =	vst v63  }
0x1c: {  	_ =	swait.ge [sflag:s12], $0x1900  }
0x1d: {  	[sflag:s12] =	ssyncset.done $0x0  }
0x1e: {  	[sflag:s12] =	ssyncadd.s32 $0xFFFFE700  }
0x1f: {  	[tilespmem:s15], [sflag:$0x1] =	stream.indirect.gather [hbm4b:s1+s14], $0x80, s25, s14, $0xb8;
	[tilespmem:$0x1A000] =	vst v63  }
0x20: {  	_ = 	snop  }
0x21: {  	[tilespmem:s17], [sflag:$0x2] =	stream.indirect.gather [hbm4b:s1+s14], $0x80, s16, s14, $0xb8;
	[tilespmem:$0x1A000] =	vst v63  }
0x22: {  	_ =	swait.ge [sflag:s18], $0x1400  }
0x23: {  	[sflag:s18] =	ssyncset.done $0x0  }
0x24: {  	s29 =	simm.s32 $0x1C00;
	[sflag:s18] =	ssyncadd.s32 $0xFFFFEC00  }
0x25: {  	[spmem:s3] =	stream.indirect.scatter.add.f32 [tilespmem:s15], [sflag:$0x3], $0x80, s29, s14, $0xb8;
	[tilespmem:$0x1A000] =	vst v63  }
0x26: {  	_ =	swait.ge [sflag:s12], $0x1400  }
0x27: {  	[sflag:s12] =	ssyncset.done $0x0  }
0x28: {  	s30 =	simm.s32 $0x100;
	[sflag:s12] =	ssyncadd.s32 $0xFFFFEC00  }
0x29: {  	[tilespmem:s15], [sflag:$0x1] =	stream.indirect.gather [hbm4b:s1+s14], $0x80, s30, s14, $0xb8;
	[tilespmem:$0x1A000] =	vst v63  }
0x2a: {  	_ =	swait.ge [sflag:s19], $0x1400  }
0x2b: {  	[sflag:s19] =	ssyncset.done $0x0  }
0x2c: {  	s31 =	simm.s32 $0x1C80;
	[sflag:s19] =	ssyncadd.s32 $0xFFFFEC00  }
0x2d: {  	[spmem:s3] =	stream.indirect.scatter.add.f32 [tilespmem:s17], [sflag:$0x3], $0x80, s31, s14, $0xb8;
	[tilespmem:$0x1A000] =	vst v63  }
0x2e: {  	_ =	swait.ge [sflag:s12], $0x1400  }
0x2f: {  	[sflag:s12] =	ssyncset.done $0x0  }
0x30: {  	s24 =	simm.s32 $0x180;
	s23 =	simm.s32 $0x400;
	[sflag:s12] =	ssyncadd.s32 $0xFFFFEC00  }
.LBB2_3:
0x31: {  	[tilespmem:s17], [sflag:$0x2] =	stream.indirect.gather [hbm4b:s1+s14], $0x80, s24, s14, $0xb8;
	[tilespmem:$0x1A000] =	vst v63  }
0x32: {  	s24 =	smov.u32 s23  }
0x33: {  	p0 =	sne.s32 s23, $0x5C00;
	s23 =	sadd.s32 $0x400, s23;
	_ =	swait.ge [sflag:s18], $0x1400  }
0x34: {  	s24 =	sshra.s32 s24, $0x2;
	[sflag:s18] =	ssyncset.done $0x0  }
0x35: {  	s25 =	sadd.s32 $0x1C00, s24;
	[sflag:s18] =	ssyncadd.s32 $0xFFFFEC00  }
0x36: {  	[spmem:s3] =	stream.indirect.scatter.add.f32 [tilespmem:s15], [sflag:$0x3], $0x80, s25, s14, $0xb8;
	[tilespmem:$0x1A000] =	vst v63  }
0x37: {  	_ =	swait.ge [sflag:s12], $0x1400  }
0x38: {  	[sflag:s12] =	ssyncset.done $0x0  }
0x39: {  	s25 =	sadd.s32 $0x100, s24;
	[sflag:s12] =	ssyncadd.s32 $0xFFFFEC00  }
0x3a: {  	[tilespmem:s15], [sflag:$0x1] =	stream.indirect.gather [hbm4b:s1+s14], $0x80, s25, s14, $0xb8;
	[tilespmem:$0x1A000] =	vst v63  }
0x3b: {  	_ =	swait.ge [sflag:s19], $0x1400  }
0x3c: {  	[sflag:s19] =	ssyncset.done $0x0  }
.Ltmp0:
0x3d: {  	s25 =	sadd.s32 $0x1C80, s24;
	[sflag:s19] =	ssyncadd.s32 $0xFFFFEC00;
	(pc) =	sbr.rel @p0 .LBB2_3-.Ltmp0, $4  }
0x3e: {  	[spmem:s3] =	stream.indirect.scatter.add.f32 [tilespmem:s17], [sflag:$0x3], $0x80, s25, s14, $0xb8;
	[tilespmem:$0x1A000] =	vst v63  }
0x3f: {  	_ =	swait.ge [sflag:s12], $0x1400  }
0x40: {  	[sflag:s12] =	ssyncset.done $0x0  }
0x41: {  	s24 =	sadd.s32 $0x180, s24;
	[sflag:s12] =	ssyncadd.s32 $0xFFFFEC00  }
0x42: {  	[tilespmem:s17], [sflag:$0x2] =	stream.indirect.gather [hbm4b:s1+s14], $0x80, s24, s14, $0xb8;
	[tilespmem:$0x1A000] =	vst v63  }
0x43: {  	_ =	swait.ge [sflag:s18], $0x1400  }
0x44: {  	[sflag:s18] =	ssyncset.done $0x0  }
0x45: {  	[sflag:s18] =	ssyncadd.s32 $0xFFFFEC00  }
0x46: {  	[spmem:s3] =	stream.indirect.scatter.add.f32 [tilespmem:s15], [sflag:$0x3], $0x80, s20, s14, $0xb8;
	[tilespmem:$0x1A000] =	vst v63  }
0x47: {  	_ =	swait.ge [sflag:s12], $0x1400  }
0x48: {  	[sflag:s12] =	ssyncset.done $0x0  }
0x49: {  	[sflag:s12] =	ssyncadd.s32 $0xFFFFEC00  }
0x4a: {  	s22 =	sadd.s32 $0x1, s22;
	_ =	swait.ge [sflag:s19], $0x1400  }
0x4b: {  	p0 =	sne.s32 s22, $0x5;
	[sflag:s19] =	ssyncset.done $0x0  }
.Ltmp1:
0x4c: {  	[sflag:s19] =	ssyncadd.s32 $0xFFFFEC00;
	(pc) =	sbr.rel @p0 .LBB2_2-.Ltmp1, $4  }
0x4d: {  	[spmem:s3] =	stream.indirect.scatter.add.f32 [tilespmem:s17], [sflag:$0x3], $0x80, s21, s14, $0xb8;
	[tilespmem:$0x1A000] =	vst v63  }
0x4e: {  	_ =	swait.ge [sflag:s12], $0x1400  }
0x4f: {  	[sflag:s12] =	ssyncset.done $0x0  }
0x50: {  	[sflag:s12] =	ssyncadd.s32 $0xFFFFEC00  }
0x51: {  	s4 =	sadd.s32 $0x1, s4  }
0x52: {  	p0 =	sne.s32 s4, s10  }
.Ltmp2:
0x53: {  	[bflag:$0x0] =	sbarrier.arrive $0xFFFF;
	(pc) =	sbr.rel @p0 .LBB2_1-.Ltmp2, $4  }
0x54: {  	[hbm:s9], [sflag:s6] =	dma.local [spmem:s11], $0x2800  }
0x55: {  	_ =	swait.ge [sflag:s12], $0x2800  }
0x56: {  	[sflag:s12] =	ssyncset.done $0x0  }
0x57: {  	[sflag:s12] =	ssyncadd.s32 $0xFFFFD800  }
0x58: {  	_ =	sfence.sel $0x180000  }
0x59: {  	[bflag:$0x0] =	sbarrier.arrive $0xFFFF  }
0x5a: {  	p0 =	sne.s32 s0, $0x0;
	_ =	strace $0x9000004A  }
0x5b: {  	s0 =	sadd.s32 @!p0 $0x100000, s2;
	[bflag:$0x2] =	sbarrier.arrive $0xFFFF  }
0x5c: {  	[sflag:s0] =	ssyncadd.tile.s32 @!p0 $0x1;
	_ =	shalt  }
.Lfunc_end2:
_tile_overlayer_lowered:
.L_overlay_start_2:
0x5d: {  	(tag) =	ssettag $0x2  }
0x5e: {  	s0 =	rddreg [dreg:$0x0];
	s2 =	stileid.u32  }
0x5f: {  	s1 =	rddreg [dreg:$0x1];
	p0 =	sne.s32 s2, $0x0  }
0x60: {  	s3 =	rddreg [dreg:$0x2];
	[bflag:$0x3] =	sbarrier.arrive $0xFFFF;
	s2 =	simm.s32 @!p0 $0x1C03  }
0x61: {  	[timem:s3], [sflag:s2] =	dma.local @!p0 [hbm:s0], s1  }
0x62: {  	s0 =	simm.s32 @!p0 $0x3  }
0x63: {  	_ =	swait.ge @!p0 [sflag:s0], s1  }
0x64: {  	s1 =	ssub.s32 @!p0 $0x0, s1;
	[sflag:s0] =	ssyncset.done @!p0 $0x0  }
0x65: {  	[sflag:s0] =	ssyncadd.s32 @!p0 s1  }
0x66: {  	[bflag:$0x3] =	sbarrier.arrive $0xFFFF  }
0x67: {  	_ =	shalt  }

// kernel: kernel.14.cloned.1.call-start
scs
__scs_entry_jumppad:
0x0: {  	(pc) =	sbr.rel $0x88, $3  }
0x1: {  	(tag) =	ssettag $0x0;
	lr =	simm.s32 $0x1  }
0x2: {  	[smem:$0x3F99] =	sst lr;
	_ =	strace $0xD0000000  }
0x3: {  	_ = 	snop  }
0x4: {  	_ = 	snop  }
0x5: {  	_ = 	snop  }
0x6: {  	_ = 	snop  }
0x7: {  	_ = 	snop  }
__scs_overlays_trampoline_lowered:
0x8: {  	[smem:$0x3FA8] =	sst s0  }
0x9: {  	[smem:$0x3FA9] =	sst s1  }
0xa: {  	[smem:$0x3FAA] =	sst s2  }
0xb: {  	[smem:$0x3FAB] =	sst s3  }
0xc: {  	[smem:$0x3FAC] =	sst s4  }
0xd: {  	[smem:$0x3FAD] =	sst s5  }
0xe: {  	[smem:$0x3FAE] =	sst s6  }
0xf: {  	[smem:$0x3FAF] =	sst s7  }
0x10: {  	[smem:$0x3FB0] =	sst s8  }
0x11: {  	[smem:$0x3FB1] =	sst s9;
	s0 =	simm.s32 @!p0 $0x0  }
0x12: {  	s1 =	sld [smem:$0x3F97];
	s0 =	simm.s32 @p0 $0x1  }
0x13: {  	[smem:$0x3FB2] =	sst s0;
	s0 =	simm.s32 @!p1 $0x0  }
0x14: {  	s2 =	sld [smem:$0x3F96];
	s0 =	simm.s32 @p1 $0x1  }
0x15: {  	[smem:$0x3FB3] =	sst s0;
	s0 =	simm.s32 @!p2 $0x0  }
0x16: {  	s3 =	sld [smem:$0x3FDB];
	s0 =	simm.s32 @p2 $0x1  }
0x17: {  	s4 =	simm.s32 $0x1BF5;
	[smem:$0x3FB5] =	sst s0  }
0x18: {  	s0 =	sld [smem:$0x3F98];
	_ =	swait.ge [sflag:s4], $0x0  }
0x19: {  	s7 =	sld [smem:$0x3F99]  }
0x1a: {  	s8 =	sadd.s32 $0xFFFFE003, lr  }
0x1b: {  	s9 =	sadd.s32 $0xFFFFFEF7, lr;
	s5 =	simm.s32 $0xFFFFFFFF;
	p2 =	slt.u32 s8, $0xFFFFF086  }
0x1c: {  	p1 =	slt.u32 s9, $0xF7A;
	s5 =	simm.s32 @!p2 $0x0  }
0x1d: {  	s5 =	simm.s32 @p1 $0x1;
	p0 =	seq.s32 s7, s2  }
0x1e: {  	s7 =	smul.u32 @!p0 $0xF7A, s2;
	p2 =	seq.s32 @!p0 s5, $0x0  }
0x1f: {  	s9 =	smul.u32 $0xF7A, s1;
	s8 =	simm.s32 @!p0 $0x1BF5;
	p2 =	por !p2, p0  }
0x20: {  	[sflag:s8] =	ssyncset.s32 @!p0 $0xFFFFF086;
	s6 =	sadd.s32 @!p0 s3, s7;
	s7 =	simm.s32 @!p0 $0x108  }
0x21: {  	s3 =	sadd.s32 s3, s9;
	s6 =	sadd.s32 @!p0 $0x88, s6;
	s7 =	simm.s32 @p2 $0x1082  }
0x22: {  	[simem:s7], [sflag:s8] =	dma.local @!p0 [hbm:s6], $0xF7A  }
0x23: {  	s9 =	sor.u32 $0xD0000000, s2;
	s6 =	simm.s32 $0x108;
	_ =	swait.ge @!p0 [sflag:s8], $0x0  }
0x24: {  	s3 =	sadd.s32 $0x88, s3;
	s6 =	simm.s32 @!p1 $0x1082;
	[sflag:s4] =	ssyncset.s32 $0xFFFFF086  }
0x25: {  	[simem:s6], [sflag:s4] =	dma.local [hbm:s3], $0xF7A  }
0x26: {  	[smem:$0x3F99] =	sst s1;
	(tag) =	ssettag s2;
	_ =	strace s9  }
0x27: {  	s1 =	sld [smem:$0x3FA9]  }
0x28: {  	s2 =	sld [smem:$0x3FAA]  }
0x29: {  	s4 =	sld [smem:$0x3FAC]  }
0x2a: {  	p0 =	seq.s32 s5, $0x0;
	s5 =	sld [smem:$0x3FAD]  }
0x2b: {  	s6 =	sld [smem:$0x3FAE]  }
0x2c: {  	s7 =	sld [smem:$0x3FAF]  }
0x2d: {  	s3 =	simm.s32 $0x108;
	s8 =	sld [smem:$0x3FB0]  }
0x2e: {  	s3 =	simm.s32 @!p0 $0x1082;
	s9 =	sld [smem:$0x3FB1]  }
0x2f: {  	lr =	sadd.s32 s0, s3;
	s0 =	sld [smem:$0x3FA8]  }
0x30: {  	s3 =	sld [smem:$0x3FAB]  }
0x31: {  	[smem:$0x3FB4] =	sst s10  }
0x32: {  	s10 =	sld [smem:$0x3FB2];
	_ =	sdelay $0x3  }
0x33: {  	p0 =	seq.s32 s10, $0x1;
	s10 =	sld [smem:$0x3FB4];
	_ =	sdelay $0x3  }
0x34: {  	[smem:$0x3FB4] =	sst s10  }
0x35: {  	s10 =	sld [smem:$0x3FB3];
	_ =	sdelay $0x3  }
0x36: {  	p1 =	seq.s32 s10, $0x1;
	s10 =	sld [smem:$0x3FB4];
	_ =	sdelay $0x3  }
0x37: {  	[smem:$0x3FB4] =	sst s10  }
0x38: {  	s10 =	sld [smem:$0x3FB5]  }
0x39: {  	_ = 	snop;
	(pc) =	sbr.ind lr, $3  }
0x3a: {  	_ = 	snop  }
0x3b: {  	_ = 	snop  }
0x3c: {  	p2 =	seq.s32 s10, $0x1;
	s10 =	sld [smem:$0x3FB4]  }
0x3d: {  	_ =	shalt  }
0x3e: {  	_ =	shalt  }
0x3f: {  	_ =	shalt  }
0x40: {  	_ =	shalt  }
0x41: {  	_ =	shalt  }
0x42: {  	_ =	shalt  }
0x43: {  	_ =	shalt  }
0x44: {  	_ =	shalt  }
0x45: {  	_ =	shalt  }
0x46: {  	_ =	shalt  }
0x47: {  	_ =	shalt  }
0x48: {  	_ =	shalt  }
0x49: {  	_ =	shalt  }
0x4a: {  	_ =	shalt  }
0x4b: {  	_ =	shalt  }
0x4c: {  	_ =	shalt  }
0x4d: {  	_ =	shalt  }
0x4e: {  	_ =	shalt  }
0x4f: {  	_ =	shalt  }
0x50: {  	_ =	shalt  }
0x51: {  	_ =	shalt  }
0x52: {  	_ =	shalt  }
0x53: {  	_ =	shalt  }
0x54: {  	_ =	shalt  }
0x55: {  	_ =	shalt  }
0x56: {  	_ =	shalt  }
0x57: {  	_ =	shalt  }
0x58: {  	_ =	shalt  }
0x59: {  	_ =	shalt  }
0x5a: {  	_ =	shalt  }
0x5b: {  	_ =	shalt  }
0x5c: {  	_ =	shalt  }
0x5d: {  	_ =	shalt  }
0x5e: {  	_ =	shalt  }
0x5f: {  	_ =	shalt  }
0x60: {  	_ =	shalt  }
0x61: {  	_ =	shalt  }
0x62: {  	_ =	shalt  }
0x63: {  	_ =	shalt  }
0x64: {  	_ =	shalt  }
0x65: {  	_ =	shalt  }
0x66: {  	_ =	shalt  }
0x67: {  	_ =	shalt  }
0x68: {  	_ =	shalt  }
0x69: {  	_ =	shalt  }
0x6a: {  	_ =	shalt  }
0x6b: {  	_ =	shalt  }
0x6c: {  	_ =	shalt  }
0x6d: {  	_ =	shalt  }
0x6e: {  	_ =	shalt  }
0x6f: {  	_ =	shalt  }
0x70: {  	_ =	shalt  }
0x71: {  	_ =	shalt  }
0x72: {  	_ =	shalt  }
0x73: {  	_ =	shalt  }
0x74: {  	_ =	shalt  }
0x75: {  	_ =	shalt  }
0x76: {  	_ =	shalt  }
0x77: {  	_ =	shalt  }
0x78: {  	_ =	shalt  }
0x79: {  	_ =	shalt  }
0x7a: {  	_ =	shalt  }
0x7b: {  	_ =	shalt  }
0x7c: {  	_ =	shalt  }
0x7d: {  	_ =	shalt  }
0x7e: {  	_ =	shalt  }
0x7f: {  	_ =	shalt  }
0x80: {  	_ =	shalt  }
0x81: {  	_ =	shalt  }
0x82: {  	_ =	shalt  }
0x83: {  	_ =	shalt  }
0x84: {  	_ =	shalt  }
0x85: {  	_ =	shalt  }
0x86: {  	_ =	shalt  }
0x87: {  	_ =	shalt  }
.Lfunc_end0:
.L_simem_size_0:
called_computation.2_lowered:
.L_overlay_start_0:
0x88: {  	s2 =	sld [smem:$0x3FD9]  }
0x89: {  	s3 =	sld [smem:$0x3FFE];
	_ =	sdelay $0x1  }
0x8a: {  	s1 =	srdreg.scid  }
0x8b: {  	s0 =	sand.u32 $0x1, s1  }
0x8c: {  	s14 =	sshll.u32 s0, $0xA;
	s2 =	sadd.s32 s3, s2  }
0x8d: {  	s2 =	sadd.s32 s2, s14  }
0x8e: {  	[smem:$0x3FC0] =	sst s2  }
0x8f: {  	_ = 	snop  }
0x90: {  	s2 =	sld [smem:$0x3FD0];
	_ =	sdelay $0x2  }
0x91: {  	s15 =	simm.s32 $0xA;
	s4 =	simm.s32 $0x10  }
0x92: {  	[smem:s4], [sflag:s15] =	dma.local [hbm:s2], $0x1  }
0x93: {  	_ =	swait.eq [sflag:s15], $0x1  }
0x94: {  	[sflag:s15] =	ssyncset.done $0x0  }
0x95: {  	[sflag:s15] =	ssyncadd.s32 $0xFFFFFFFF  }
0x96: {  	s16 =	sld [smem:$0x11];
	(tm) =	ssettm $0x1  }
0x97: {  	s17 =	sld [smem:$0x3FFB];
	_ =	sdelay $0x3  }
0x98: {  	_ =	strace s17  }
0x99: {  	s3 =	sld [smem:$0x3FFC];
	_ =	sdelay $0x3  }
0x9a: {  	_ =	strace s3  }
0x9b: {  	s3 =	sld [smem:$0x3FFD];
	_ =	sdelay $0x3  }
0x9c: {  	_ =	strace s3  }
0x9d: {  	_ =	strace $0x8FFFFFFF  }
0x9e: {  	s18 =	sld [smem:$0x3FDB];
	_ =	sdelay $0x1  }
0x9f: {  	s19 =	simm.s32 $_scs_section_size  }
0xa0: {  	s5 =	simm.s32 $_size__tile_overlayer_lowered;
	s6 =	simm.s32 $_tile_overlayer_lowered  }
0xa1: {  	s22 =	simm.s32 $0x1BFF;
	s21 =	sshll.u32 s6, $0x1;
	s3 =	sadd.s32 s19, s18  }
0xa2: {  	s7 =	simm.s32 $0x0;
	s20 =	sshll.u32 s5, $0x1;
	s5 =	sadd.s32 s21, s3  }
0xa3: {  	[timem:s7], [sflag:s22] =	dma.local [hbm:s5], s20  }
0xa4: {  	_ =	swait.ge [sflag:s22], s20  }
0xa5: {  	s4 =	ssub.s32 $0x0, s20;
	[sflag:s22] =	ssyncset.done $0x0  }
0xa6: {  	[sflag:s22] =	ssyncadd.s32 s4;
	_ =	sdelay $0x1  }
0xa7: {  	s23 =	simm.s32 $0x1B8B  }
0xa8: {  	_ =	swait.ge [sflag:s23], $0x1  }
0xa9: {  	[sflag:s23] =	ssyncset.done $0x0  }
0xaa: {  	s25 =	simm.s32 $0x1B8E;
	s24 =	sld [smem:$0x3FFE];
	[sflag:s23] =	ssyncadd.s32 $0xFFFFFFFF  }
0xab: {  	s26 =	simm.s32 $execute0_lowered;
	[smem:$0x3FD2] =	sst s25  }
0xac: {  	s5 =	sshll.u32 s26, $0x1;
	_ =	strace $0x8000004C;
	[dreg:$0x1] =	wrdreg $0xFFFFFFFF  }
0xad: {  	s28 =	simm.s32 $_size_execute0_lowered;
	s3 =	sadd.s32 s3, s5;
	[dreg:$0x0] =	wrdreg $0x0  }
0xae: {  	s5 =	sshll.u32 s28, $0x1;
	[dreg:$0x2] =	wrdreg s3  }
0xaf: {  	[dreg:$0x3] =	wrdreg s5  }
0xb0: {  	[dreg:$0x4] =	wrdreg $0xC0  }
0xb1: {  	_ =	task [dreg:s7], $0x5FFFF  }
0xb2: {  	[dreg:$0x1] =	wrdreg $0xFFFFFFFF  }
0xb3: {  	[dreg:$0x0] =	wrdreg $0x60  }
0xb4: {  	[dreg:$0x2] =	wrdreg s16  }
0xb5: {  	[dreg:$0x3] =	wrdreg s24  }
0xb6: {  	[dreg:$0x4] =	wrdreg $0x60000  }
0xb7: {  	[dreg:$0x5] =	wrdreg $0x9  }
0xb8: {  	_ =	task.clear_ibuf [dreg:s7], $0x6FFFF;
	_ =	strace $0x9000004C  }
0xb9: {  	s29 =	simm.s32 $0x9;
	_ =	strace $0x8000004E  }
0xba: {  	_ =	swait.ge [sflag:s29], $0x1  }
0xbb: {  	[sflag:s29] =	ssyncadd.s32 $0xFFFFFFFF  }
0xbc: {  	_ =	strace $0x9000004E  }
0xbd: {  	_ =	sfence  }
0xbe: {  	s30 =	sld [smem:$0x0];
	_ =	sdelay $0x2  }
0xbf: {  	s31 =	sshll.u32 s1, $0xD;
	s1 =	sshrl.u32 s1, $0x2  }
0xc0: {  	s3 =	sand.u32 $0x4000, s31;
	s1 =	sadd.s32 s1, s30  }
0xc1: {  	s0 =	sor.u32 s3, s0;
	s1 =	sshll.u32 s1, $0x11  }
0xc2: {  	s0 =	sor.u32 s1, s0  }
0xc3: {  	s0 =	sadd.s32 $0x8F2B, s0  }
0xc4: {  	[sflag:s0] =	ssyncadd.remote.s32 $0x1  }
0xc5: {  	_ =	sfence.sel $0xFFFF  }
0xc6: {  	[dreg:$0x0] =	wrdreg $0xFFFFFFFF;
	(pc) =	sbr.abs _section_cstart, $3  }
0xc7: {  	[dreg:$0x1] =	wrdreg $0xFFFFFFFF  }
0xc8: {  	_ =	task.clear_ibuf [dreg:s7], $0x2FFFF;
	_ =	strace $0x9FFFFFFF  }
0xc9: {  	(tm) =	ssettm $0x7FFFFFFF  }
tec
execute0_lowered:
.L_overlay_start_1:
0x0: {  	(tag) =	ssettag $0x1  }
0x1: {  	s1 =	rddreg [dreg:$0x0]  }
0x2: {  	s0 =	srdreg.scid;
	s7 =	rddreg [dreg:$0x1]  }
0x3: {  	s3 =	rddreg [dreg:$0x2];
	s4 =	simm.s32 $0x0;
	s14 =	simm.s32 $0x28  }
0x4: {  	s15 =	simm.s32 $0x3800;
	s16 =	simm.s32 $0x80;
	s17 =	simm.s32 $0x4C00  }
0x5: {  	s18 =	simm.s32 $0x1;
	s6 =	sand.u32 $0x1, s0;
	s0 =	stileid.u32  }
0x6: {  	s19 =	simm.s32 $0x2;
	s20 =	simm.s32 $0x3400;
	s8 =	smul.u32 $0x2800, s0  }
0x7: {  	s21 =	simm.s32 $0x3480;
	[smem:$0x7FF] =	sst s4;
	s9 =	smul.u32 $0x28000, s6  }
0x8: {  	s2 =	sshll.u32 s6, $0x4;
	s28 =	smul.u32 $0x50000, s0;
	s6 =	ssub.s32 $0x2, s6  }
0x9: {  	s31 =	sshll.u32 s0, $0x6;
	s2 =	sor.u32 s0, s2;
	s29 =	sshrl.u32 s6, $0x1  }
0xa: {  	s5 =	smul.u32 $0x1180, s2;
	s2 =	rddreg [dreg:$0x3];
	_ =	strace $0x8000004D  }
0xb: {  	s8 =	sadd.s32 s8, s9;
	s30 =	sshrl.u32 s28, $0x2;
	s12 =	ssub.s32 s6, s29  }
0xc: {  	s6 =	sor.u32 $0x1C03, s31;
	s11 =	sadd.s32 s8, s7;
	s13 =	sadd.s32 s30, s3  }
0xd: {  	s10 =	sadd.s32 s5, s7;
	s5 =	sadd.s32 $0x1E00, s7;
	s9 =	sadd.s32 $0x51C00, s11  }
0xe: {  	s11 =	sshrl.u32 s13, $0x3;
	s13 =	simm.s32 $0x1C00;
	s7 =	sadd.s32 $0x2EC00, s10  }
0xf: {  	s8 =	sadd.s32 $0xBC00, s10;
	s10 =	smax.u32 s12, $0x1;
	s12 =	simm.s32 $0x3  }
.LBB2_1:
0x10: {  	[spmem:s11], [sflag:s6] =	dma.local [hbm:s5], $0x2800  }
0x11: {  	_ =	swait.ge [sflag:s12], $0x2800  }
0x12: {  	[sflag:s12] =	ssyncset.done $0x0  }
0x13: {  	[sflag:s12] =	ssyncadd.s32 $0xFFFFD800  }
0x14: {  	s22 =	simm.s32 $0x0;
	[bflag:$0x0] =	sbarrier.arrive $0xFFFF  }
.LBB2_2:
0x15: {  	s23 =	smul.u32 $0x380, s22;
	_ =	sdelay $0x1  }
0x16: {  	s25 =	simm.s32 $0x0;
	s24 =	sadd.s32 s23, s7  }
0x17: {  	[tilespmem:s25], [sflag:$0x3] =	stream.linear.gather [hbm4b:s24+s25], $0x1900, $0x38;
	[tilespmem:$0x1A000] =	vst v63  }
0x18: {  	_ =	swait.ge [sflag:s12], $0x1900  }
0x19: {  	[sflag:s12] =	ssyncset.done $0x0  }
0x1a: {  	s23 =	sadd.s32 s23, s8;
	[sflag:s12] =	ssyncadd.s32 $0xFFFFE700  }
0x1b: {  	[tilespmem:s13], [sflag:$0x3] =	stream.linear.gather [hbm4b:s23+s25], $0x1900, $0x38;
	[tilespmem:$0x1A000] =	vst v63  }
0x1c: {  	_ =	swait.ge [sflag:s12], $0x1900  }
0x1d: {  	[sflag:s12] =	ssyncset.done $0x0  }
0x1e: {  	[sflag:s12] =	ssyncadd.s32 $0xFFFFE700  }
0x1f: {  	[tilespmem:s15], [sflag:$0x1] =	stream.indirect.gather [hbm4b:s1+s14], $0x80, s25, s14, $0xb8;
	[tilespmem:$0x1A000] =	vst v63  }
0x20: {  	_ = 	snop  }
0x21: {  	[tilespmem:s17], [sflag:$0x2] =	stream.indirect.gather [hbm4b:s1+s14], $0x80, s16, s14, $0xb8;
	[tilespmem:$0x1A000] =	vst v63  }
0x22: {  	_ =	swait.ge [sflag:s18], $0x1400  }
0x23: {  	[sflag:s18] =	ssyncset.done $0x0  }
0x24: {  	s29 =	simm.s32 $0x1C00;
	[sflag:s18] =	ssyncadd.s32 $0xFFFFEC00  }
0x25: {  	[spmem:s3] =	stream.indirect.scatter.add.f32 [tilespmem:s15], [sflag:$0x3], $0x80, s29, s14, $0xb8;
	[tilespmem:$0x1A000] =	vst v63  }
0x26: {  	_ =	swait.ge [sflag:s12], $0x1400  }
0x27: {  	[sflag:s12] =	ssyncset.done $0x0  }
0x28: {  	s30 =	simm.s32 $0x100;
	[sflag:s12] =	ssyncadd.s32 $0xFFFFEC00  }
0x29: {  	[tilespmem:s15], [sflag:$0x1] =	stream.indirect.gather [hbm4b:s1+s14], $0x80, s30, s14, $0xb8;
	[tilespmem:$0x1A000] =	vst v63  }
0x2a: {  	_ =	swait.ge [sflag:s19], $0x1400  }
0x2b: {  	[sflag:s19] =	ssyncset.done $0x0  }
0x2c: {  	s31 =	simm.s32 $0x1C80;
	[sflag:s19] =	ssyncadd.s32 $0xFFFFEC00  }
0x2d: {  	[spmem:s3] =	stream.indirect.scatter.add.f32 [tilespmem:s17], [sflag:$0x3], $0x80, s31, s14, $0xb8;
	[tilespmem:$0x1A000] =	vst v63  }
0x2e: {  	_ =	swait.ge [sflag:s12], $0x1400  }
0x2f: {  	[sflag:s12] =	ssyncset.done $0x0  }
0x30: {  	s24 =	simm.s32 $0x180;
	s23 =	simm.s32 $0x400;
	[sflag:s12] =	ssyncadd.s32 $0xFFFFEC00  }
.LBB2_3:
0x31: {  	[tilespmem:s17], [sflag:$0x2] =	stream.indirect.gather [hbm4b:s1+s14], $0x80, s24, s14, $0xb8;
	[tilespmem:$0x1A000] =	vst v63  }
0x32: {  	s24 =	smov.u32 s23  }
0x33: {  	p0 =	sne.s32 s23, $0x5C00;
	s23 =	sadd.s32 $0x400, s23;
	_ =	swait.ge [sflag:s18], $0x1400  }
0x34: {  	s24 =	sshra.s32 s24, $0x2;
	[sflag:s18] =	ssyncset.done $0x0  }
0x35: {  	s25 =	sadd.s32 $0x1C00, s24;
	[sflag:s18] =	ssyncadd.s32 $0xFFFFEC00  }
0x36: {  	[spmem:s3] =	stream.indirect.scatter.add.f32 [tilespmem:s15], [sflag:$0x3], $0x80, s25, s14, $0xb8;
	[tilespmem:$0x1A000] =	vst v63  }
0x37: {  	_ =	swait.ge [sflag:s12], $0x1400  }
0x38: {  	[sflag:s12] =	ssyncset.done $0x0  }
0x39: {  	s25 =	sadd.s32 $0x100, s24;
	[sflag:s12] =	ssyncadd.s32 $0xFFFFEC00  }
0x3a: {  	[tilespmem:s15], [sflag:$0x1] =	stream.indirect.gather [hbm4b:s1+s14], $0x80, s25, s14, $0xb8;
	[tilespmem:$0x1A000] =	vst v63  }
0x3b: {  	_ =	swait.ge [sflag:s19], $0x1400  }
0x3c: {  	[sflag:s19] =	ssyncset.done $0x0  }
.Ltmp0:
0x3d: {  	s25 =	sadd.s32 $0x1C80, s24;
	[sflag:s19] =	ssyncadd.s32 $0xFFFFEC00;
	(pc) =	sbr.rel @p0 .LBB2_3-.Ltmp0, $4  }
0x3e: {  	[spmem:s3] =	stream.indirect.scatter.add.f32 [tilespmem:s17], [sflag:$0x3], $0x80, s25, s14, $0xb8;
	[tilespmem:$0x1A000] =	vst v63  }
0x3f: {  	_ =	swait.ge [sflag:s12], $0x1400  }
0x40: {  	[sflag:s12] =	ssyncset.done $0x0  }
0x41: {  	s24 =	sadd.s32 $0x180, s24;
	[sflag:s12] =	ssyncadd.s32 $0xFFFFEC00  }
0x42: {  	[tilespmem:s17], [sflag:$0x2] =	stream.indirect.gather [hbm4b:s1+s14], $0x80, s24, s14, $0xb8;
	[tilespmem:$0x1A000] =	vst v63  }
0x43: {  	_ =	swait.ge [sflag:s18], $0x1400  }
0x44: {  	[sflag:s18] =	ssyncset.done $0x0  }
0x45: {  	[sflag:s18] =	ssyncadd.s32 $0xFFFFEC00  }
0x46: {  	[spmem:s3] =	stream.indirect.scatter.add.f32 [tilespmem:s15], [sflag:$0x3], $0x80, s20, s14, $0xb8;
	[tilespmem:$0x1A000] =	vst v63  }
0x47: {  	_ =	swait.ge [sflag:s12], $0x1400  }
0x48: {  	[sflag:s12] =	ssyncset.done $0x0  }
0x49: {  	[sflag:s12] =	ssyncadd.s32 $0xFFFFEC00  }
0x4a: {  	s22 =	sadd.s32 $0x1, s22;
	_ =	swait.ge [sflag:s19], $0x1400  }
0x4b: {  	p0 =	sne.s32 s22, $0x5;
	[sflag:s19] =	ssyncset.done $0x0  }
.Ltmp1:
0x4c: {  	[sflag:s19] =	ssyncadd.s32 $0xFFFFEC00;
	(pc) =	sbr.rel @p0 .LBB2_2-.Ltmp1, $4  }
0x4d: {  	[spmem:s3] =	stream.indirect.scatter.add.f32 [tilespmem:s17], [sflag:$0x3], $0x80, s21, s14, $0xb8;
	[tilespmem:$0x1A000] =	vst v63  }
0x4e: {  	_ =	swait.ge [sflag:s12], $0x1400  }
0x4f: {  	[sflag:s12] =	ssyncset.done $0x0  }
0x50: {  	[sflag:s12] =	ssyncadd.s32 $0xFFFFEC00  }
0x51: {  	s4 =	sadd.s32 $0x1, s4  }
0x52: {  	p0 =	sne.s32 s4, s10  }
.Ltmp2:
0x53: {  	[bflag:$0x0] =	sbarrier.arrive $0xFFFF;
	(pc) =	sbr.rel @p0 .LBB2_1-.Ltmp2, $4  }
0x54: {  	[hbm:s9], [sflag:s6] =	dma.local [spmem:s11], $0x2800  }
0x55: {  	_ =	swait.ge [sflag:s12], $0x2800  }
0x56: {  	[sflag:s12] =	ssyncset.done $0x0  }
0x57: {  	[sflag:s12] =	ssyncadd.s32 $0xFFFFD800  }
0x58: {  	_ =	sfence.sel $0x180000  }
0x59: {  	[bflag:$0x0] =	sbarrier.arrive $0xFFFF  }
0x5a: {  	p0 =	sne.s32 s0, $0x0;
	_ =	strace $0x9000004D  }
0x5b: {  	s0 =	sadd.s32 @!p0 $0x100000, s2;
	[bflag:$0x2] =	sbarrier.arrive $0xFFFF  }
0x5c: {  	[sflag:s0] =	ssyncadd.tile.s32 @!p0 $0x1;
	_ =	shalt  }
.Lfunc_end2:
_tile_overlayer_lowered:
.L_overlay_start_2:
0x5d: {  	(tag) =	ssettag $0x2  }
0x5e: {  	s0 =	rddreg [dreg:$0x0];
	s2 =	stileid.u32  }
0x5f: {  	s1 =	rddreg [dreg:$0x1];
	p0 =	sne.s32 s2, $0x0  }
0x60: {  	s3 =	rddreg [dreg:$0x2];
	[bflag:$0x3] =	sbarrier.arrive $0xFFFF;
	s2 =	simm.s32 @!p0 $0x1C03  }
0x61: {  	[timem:s3], [sflag:s2] =	dma.local @!p0 [hbm:s0], s1  }
0x62: {  	s0 =	simm.s32 @!p0 $0x3  }
0x63: {  	_ =	swait.ge @!p0 [sflag:s0], s1  }
0x64: {  	s1 =	ssub.s32 @!p0 $0x0, s1;
	[sflag:s0] =	ssyncset.done @!p0 $0x0  }
0x65: {  	[sflag:s0] =	ssyncadd.s32 @!p0 s1  }
0x66: {  	[bflag:$0x3] =	sbarrier.arrive $0xFFFF  }
0x67: {  	_ =	shalt  }

// kernel: kernel.8.cloned.1.call-start
scs
__scs_entry_jumppad:
0x0: {  	(pc) =	sbr.rel $0x88, $3  }
0x1: {  	(tag) =	ssettag $0x0;
	lr =	simm.s32 $0x1  }
0x2: {  	[smem:$0x3F99] =	sst lr;
	_ =	strace $0xD0000000  }
0x3: {  	_ = 	snop  }
0x4: {  	_ = 	snop  }
0x5: {  	_ = 	snop  }
0x6: {  	_ = 	snop  }
0x7: {  	_ = 	snop  }
__scs_overlays_trampoline_lowered:
0x8: {  	[smem:$0x3FA8] =	sst s0  }
0x9: {  	[smem:$0x3FA9] =	sst s1  }
0xa: {  	[smem:$0x3FAA] =	sst s2  }
0xb: {  	[smem:$0x3FAB] =	sst s3  }
0xc: {  	[smem:$0x3FAC] =	sst s4  }
0xd: {  	[smem:$0x3FAD] =	sst s5  }
0xe: {  	[smem:$0x3FAE] =	sst s6  }
0xf: {  	[smem:$0x3FAF] =	sst s7  }
0x10: {  	[smem:$0x3FB0] =	sst s8  }
0x11: {  	[smem:$0x3FB1] =	sst s9;
	s0 =	simm.s32 @!p0 $0x0  }
0x12: {  	s1 =	sld [smem:$0x3F97];
	s0 =	simm.s32 @p0 $0x1  }
0x13: {  	[smem:$0x3FB2] =	sst s0;
	s0 =	simm.s32 @!p1 $0x0  }
0x14: {  	s2 =	sld [smem:$0x3F96];
	s0 =	simm.s32 @p1 $0x1  }
0x15: {  	[smem:$0x3FB3] =	sst s0;
	s0 =	simm.s32 @!p2 $0x0  }
0x16: {  	s3 =	sld [smem:$0x3FDB];
	s0 =	simm.s32 @p2 $0x1  }
0x17: {  	s4 =	simm.s32 $0x1BF5;
	[smem:$0x3FB5] =	sst s0  }
0x18: {  	s0 =	sld [smem:$0x3F98];
	_ =	swait.ge [sflag:s4], $0x0  }
0x19: {  	s7 =	sld [smem:$0x3F99]  }
0x1a: {  	s8 =	sadd.s32 $0xFFFFE003, lr  }
0x1b: {  	s9 =	sadd.s32 $0xFFFFFEF7, lr;
	s5 =	simm.s32 $0xFFFFFFFF;
	p2 =	slt.u32 s8, $0xFFFFF086  }
0x1c: {  	p1 =	slt.u32 s9, $0xF7A;
	s5 =	simm.s32 @!p2 $0x0  }
0x1d: {  	s5 =	simm.s32 @p1 $0x1;
	p0 =	seq.s32 s7, s2  }
0x1e: {  	s7 =	smul.u32 @!p0 $0xF7A, s2;
	p2 =	seq.s32 @!p0 s5, $0x0  }
0x1f: {  	s9 =	smul.u32 $0xF7A, s1;
	s8 =	simm.s32 @!p0 $0x1BF5;
	p2 =	por !p2, p0  }
0x20: {  	[sflag:s8] =	ssyncset.s32 @!p0 $0xFFFFF086;
	s6 =	sadd.s32 @!p0 s3, s7;
	s7 =	simm.s32 @!p0 $0x108  }
0x21: {  	s3 =	sadd.s32 s3, s9;
	s6 =	sadd.s32 @!p0 $0x88, s6;
	s7 =	simm.s32 @p2 $0x1082  }
0x22: {  	[simem:s7], [sflag:s8] =	dma.local @!p0 [hbm:s6], $0xF7A  }
0x23: {  	s9 =	sor.u32 $0xD0000000, s2;
	s6 =	simm.s32 $0x108;
	_ =	swait.ge @!p0 [sflag:s8], $0x0  }
0x24: {  	s3 =	sadd.s32 $0x88, s3;
	s6 =	simm.s32 @!p1 $0x1082;
	[sflag:s4] =	ssyncset.s32 $0xFFFFF086  }
0x25: {  	[simem:s6], [sflag:s4] =	dma.local [hbm:s3], $0xF7A  }
0x26: {  	[smem:$0x3F99] =	sst s1;
	(tag) =	ssettag s2;
	_ =	strace s9  }
0x27: {  	s1 =	sld [smem:$0x3FA9]  }
0x28: {  	s2 =	sld [smem:$0x3FAA]  }
0x29: {  	s4 =	sld [smem:$0x3FAC]  }
0x2a: {  	p0 =	seq.s32 s5, $0x0;
	s5 =	sld [smem:$0x3FAD]  }
0x2b: {  	s6 =	sld [smem:$0x3FAE]  }
0x2c: {  	s7 =	sld [smem:$0x3FAF]  }
0x2d: {  	s3 =	simm.s32 $0x108;
	s8 =	sld [smem:$0x3FB0]  }
0x2e: {  	s3 =	simm.s32 @!p0 $0x1082;
	s9 =	sld [smem:$0x3FB1]  }
0x2f: {  	lr =	sadd.s32 s0, s3;
	s0 =	sld [smem:$0x3FA8]  }
0x30: {  	s3 =	sld [smem:$0x3FAB]  }
0x31: {  	[smem:$0x3FB4] =	sst s10  }
0x32: {  	s10 =	sld [smem:$0x3FB2];
	_ =	sdelay $0x3  }
0x33: {  	p0 =	seq.s32 s10, $0x1;
	s10 =	sld [smem:$0x3FB4];
	_ =	sdelay $0x3  }
0x34: {  	[smem:$0x3FB4] =	sst s10  }
0x35: {  	s10 =	sld [smem:$0x3FB3];
	_ =	sdelay $0x3  }
0x36: {  	p1 =	seq.s32 s10, $0x1;
	s10 =	sld [smem:$0x3FB4];
	_ =	sdelay $0x3  }
0x37: {  	[smem:$0x3FB4] =	sst s10  }
0x38: {  	s10 =	sld [smem:$0x3FB5]  }
0x39: {  	_ = 	snop;
	(pc) =	sbr.ind lr, $3  }
0x3a: {  	_ = 	snop  }
0x3b: {  	_ = 	snop  }
0x3c: {  	p2 =	seq.s32 s10, $0x1;
	s10 =	sld [smem:$0x3FB4]  }
0x3d: {  	_ =	shalt  }
0x3e: {  	_ =	shalt  }
0x3f: {  	_ =	shalt  }
0x40: {  	_ =	shalt  }
0x41: {  	_ =	shalt  }
0x42: {  	_ =	shalt  }
0x43: {  	_ =	shalt  }
0x44: {  	_ =	shalt  }
0x45: {  	_ =	shalt  }
0x46: {  	_ =	shalt  }
0x47: {  	_ =	shalt  }
0x48: {  	_ =	shalt  }
0x49: {  	_ =	shalt  }
0x4a: {  	_ =	shalt  }
0x4b: {  	_ =	shalt  }
0x4c: {  	_ =	shalt  }
0x4d: {  	_ =	shalt  }
0x4e: {  	_ =	shalt  }
0x4f: {  	_ =	shalt  }
0x50: {  	_ =	shalt  }
0x51: {  	_ =	shalt  }
0x52: {  	_ =	shalt  }
0x53: {  	_ =	shalt  }
0x54: {  	_ =	shalt  }
0x55: {  	_ =	shalt  }
0x56: {  	_ =	shalt  }
0x57: {  	_ =	shalt  }
0x58: {  	_ =	shalt  }
0x59: {  	_ =	shalt  }
0x5a: {  	_ =	shalt  }
0x5b: {  	_ =	shalt  }
0x5c: {  	_ =	shalt  }
0x5d: {  	_ =	shalt  }
0x5e: {  	_ =	shalt  }
0x5f: {  	_ =	shalt  }
0x60: {  	_ =	shalt  }
0x61: {  	_ =	shalt  }
0x62: {  	_ =	shalt  }
0x63: {  	_ =	shalt  }
0x64: {  	_ =	shalt  }
0x65: {  	_ =	shalt  }
0x66: {  	_ =	shalt  }
0x67: {  	_ =	shalt  }
0x68: {  	_ =	shalt  }
0x69: {  	_ =	shalt  }
0x6a: {  	_ =	shalt  }
0x6b: {  	_ =	shalt  }
0x6c: {  	_ =	shalt  }
0x6d: {  	_ =	shalt  }
0x6e: {  	_ =	shalt  }
0x6f: {  	_ =	shalt  }
0x70: {  	_ =	shalt  }
0x71: {  	_ =	shalt  }
0x72: {  	_ =	shalt  }
0x73: {  	_ =	shalt  }
0x74: {  	_ =	shalt  }
0x75: {  	_ =	shalt  }
0x76: {  	_ =	shalt  }
0x77: {  	_ =	shalt  }
0x78: {  	_ =	shalt  }
0x79: {  	_ =	shalt  }
0x7a: {  	_ =	shalt  }
0x7b: {  	_ =	shalt  }
0x7c: {  	_ =	shalt  }
0x7d: {  	_ =	shalt  }
0x7e: {  	_ =	shalt  }
0x7f: {  	_ =	shalt  }
0x80: {  	_ =	shalt  }
0x81: {  	_ =	shalt  }
0x82: {  	_ =	shalt  }
0x83: {  	_ =	shalt  }
0x84: {  	_ =	shalt  }
0x85: {  	_ =	shalt  }
0x86: {  	_ =	shalt  }
0x87: {  	_ =	shalt  }
.Lfunc_end0:
.L_simem_size_0:
called_computation_lowered:
.L_overlay_start_0:
0x88: {  	s2 =	sld [smem:$0x3FD9]  }
0x89: {  	s3 =	sld [smem:$0x3FFE];
	_ =	sdelay $0x1  }
0x8a: {  	s1 =	srdreg.scid  }
0x8b: {  	s0 =	sand.u32 $0x1, s1  }
0x8c: {  	s14 =	sshll.u32 s0, $0xA;
	s2 =	sadd.s32 s3, s2  }
0x8d: {  	s2 =	sadd.s32 s2, s14  }
0x8e: {  	[smem:$0x3FC0] =	sst s2  }
0x8f: {  	_ = 	snop  }
0x90: {  	s2 =	sld [smem:$0x3FD0];
	_ =	sdelay $0x2  }
0x91: {  	s15 =	simm.s32 $0xA;
	s4 =	simm.s32 $0x10  }
0x92: {  	[smem:s4], [sflag:s15] =	dma.local [hbm:s2], $0x1  }
0x93: {  	_ =	swait.eq [sflag:s15], $0x1  }
0x94: {  	[sflag:s15] =	ssyncset.done $0x0  }
0x95: {  	s16 =	sld [smem:$0x10];
	[sflag:s15] =	ssyncadd.s32 $0xFFFFFFFF  }
0x96: {  	s17 =	sld [smem:$0x11];
	(tm) =	ssettm $0x1  }
0x97: {  	s18 =	sld [smem:$0x3FFB];
	_ =	sdelay $0x3  }
0x98: {  	_ =	strace s18  }
0x99: {  	s4 =	sld [smem:$0x3FFC];
	_ =	sdelay $0x3  }
0x9a: {  	_ =	strace s4  }
0x9b: {  	s4 =	sld [smem:$0x3FFD];
	_ =	sdelay $0x3  }
0x9c: {  	_ =	strace s4  }
0x9d: {  	_ =	strace $0x8FFFFFFF  }
0x9e: {  	s19 =	sld [smem:$0x3FDB];
	_ =	sdelay $0x1  }
0x9f: {  	s5 =	simm.s32 $_scs_section_size  }
0xa0: {  	s6 =	simm.s32 $_size__tile_overlayer_lowered;
	s7 =	simm.s32 $_tile_overlayer_lowered  }
0xa1: {  	s22 =	simm.s32 $0x1BFF;
	s21 =	sshll.u32 s7, $0x1;
	s4 =	sadd.s32 s5, s19  }
0xa2: {  	s8 =	simm.s32 $0x0;
	s20 =	sshll.u32 s6, $0x1;
	s6 =	sadd.s32 s21, s4  }
0xa3: {  	[timem:s8], [sflag:s22] =	dma.local [hbm:s6], s20  }
0xa4: {  	_ =	swait.ge [sflag:s22], s20  }
0xa5: {  	s5 =	ssub.s32 $0x0, s20;
	[sflag:s22] =	ssyncset.done $0x0  }
0xa6: {  	[sflag:s22] =	ssyncadd.s32 s5;
	_ =	sdelay $0x1  }
0xa7: {  	s23 =	simm.s32 $0x1B8B  }
0xa8: {  	_ =	swait.ge [sflag:s23], $0x1  }
0xa9: {  	[sflag:s23] =	ssyncset.done $0x0  }
0xaa: {  	s25 =	simm.s32 $0x1B8E;
	s24 =	sld [smem:$0x3FFE];
	[sflag:s23] =	ssyncadd.s32 $0xFFFFFFFF  }
0xab: {  	s26 =	simm.s32 $execute0_lowered;
	[smem:$0x3FD2] =	sst s25  }
0xac: {  	s6 =	sshll.u32 s26, $0x1;
	_ =	strace $0x80000046;
	[dreg:$0x1] =	wrdreg $0xFFFFFFFF  }
0xad: {  	s28 =	simm.s32 $_size_execute0_lowered;
	s4 =	sadd.s32 s4, s6;
	[dreg:$0x0] =	wrdreg $0x0  }
0xae: {  	s6 =	sshll.u32 s28, $0x1;
	[dreg:$0x2] =	wrdreg s4  }
0xaf: {  	[dreg:$0x3] =	wrdreg s6  }
0xb0: {  	[dreg:$0x4] =	wrdreg $0xC0  }
0xb1: {  	_ =	task [dreg:s8], $0x5FFFF  }
0xb2: {  	[dreg:$0x1] =	wrdreg $0xFFFFFFFF  }
0xb3: {  	[dreg:$0x0] =	wrdreg $0x60  }
0xb4: {  	[dreg:$0x2] =	wrdreg s24  }
0xb5: {  	[dreg:$0x3] =	wrdreg s16  }
0xb6: {  	[dreg:$0x4] =	wrdreg s17  }
0xb7: {  	[dreg:$0x5] =	wrdreg $0x9  }
0xb8: {  	_ =	task.clear_ibuf [dreg:s8], $0x6FFFF;
	_ =	strace $0x90000046  }
0xb9: {  	s29 =	simm.s32 $0x9;
	_ =	strace $0x80000048  }
0xba: {  	_ =	swait.ge [sflag:s29], $0x1  }
0xbb: {  	[sflag:s29] =	ssyncadd.s32 $0xFFFFFFFF  }
0xbc: {  	_ =	strace $0x90000048  }
0xbd: {  	_ =	sfence  }
0xbe: {  	s30 =	sld [smem:$0x0];
	_ =	sdelay $0x2  }
0xbf: {  	s31 =	sshll.u32 s1, $0xD;
	s1 =	sshrl.u32 s1, $0x2  }
0xc0: {  	s3 =	sand.u32 $0x4000, s31;
	s1 =	sadd.s32 s1, s30  }
0xc1: {  	s0 =	sor.u32 s3, s0;
	s1 =	sshll.u32 s1, $0x11  }
0xc2: {  	s0 =	sor.u32 s1, s0  }
0xc3: {  	s0 =	sadd.s32 $0x8F2B, s0  }
0xc4: {  	[sflag:s0] =	ssyncadd.remote.s32 $0x1  }
0xc5: {  	_ =	sfence.sel $0xFFFF  }
0xc6: {  	[dreg:$0x0] =	wrdreg $0xFFFFFFFF;
	(pc) =	sbr.abs _section_cstart, $3  }
0xc7: {  	[dreg:$0x1] =	wrdreg $0xFFFFFFFF  }
0xc8: {  	_ =	task.clear_ibuf [dreg:s8], $0x2FFFF;
	_ =	strace $0x9FFFFFFF  }
0xc9: {  	(tm) =	ssettm $0x7FFFFFFF  }
tec
execute0_lowered:
.L_overlay_start_1:
0x0: {  	(tag) =	ssettag $0x1  }
0x1: {  	s4 =	rddreg [dreg:$0x0];
	s0 =	srdreg.scid  }
0x2: {  	s2 =	rddreg [dreg:$0x1];
	s5 =	sand.u32 $0x1, s0  }
0x3: {  	s6 =	rddreg [dreg:$0x2];
	s1 =	stileid.u32;
	s3 =	sshll.u32 s5, $0x4  }
0x4: {  	s0 =	rddreg [dreg:$0x3];
	s7 =	sor.u32 s1, s3  }
0x5: {  	s5 =	ssub.s32 $0x2, s5;
	s3 =	simm.s32 $0x0;
	s8 =	smul.u32 $0x4E2, s7  }
0x6: {  	s9 =	sshrl.u32 s5, $0x1;
	[smem:$0x7FF] =	sst s3;
	s7 =	smul.u32 $0x500, s7  }
0x7: {  	s31 =	ssub.s32 s5, s9;
	s9 =	simm.s32 $0x0;
	_ =	strace $0x80000047  }
0x8: {  	s4 =	sadd.s32 s8, s4;
	s5 =	sadd.s32 s6, s7;
	s6 =	smax.u32 s31, $0x1  }
0x9: {  	v0 =	vimm.f32 $1.000000000e+00;
	s7 =	simm.s32 $0x1;
	s8 =	simm.s32 $0x2780;
	s4 =	sadd.s32 $0x1E00, s4  }
.LBB2_1:
0xa: {  	[tilespmem:s3], [sflag:$0x1] =	stream.linear.gather [hbm4b:s4+s3], $0x2710, $0x38;
	[tilespmem:$0x4F80] =	vst v63  }
0xb: {  	_ =	swait.ge [sflag:s7], $0x2710  }
0xc: {  	[sflag:s7] =	ssyncset.done $0x0  }
0xd: {  	[sflag:s7] =	ssyncadd.s32 $0xFFFFD8F0  }
0xe: {  	[tilespmem:s8], [sflag:$0x1] =	stream.linear.gather [hbm4b:s2+s3], $0x2800, $0x38;
	[tilespmem:$0x4F80] =	vst v63  }
0xf: {  	_ =	swait.ge [sflag:s7], $0x2800  }
0x10: {  	[sflag:s7] =	ssyncset.done $0x0  }
0x11: {  	s11 =	simm.s32 $0x0;
	s10 =	simm.s32 $0x40;
	[sflag:s7] =	ssyncadd.s32 $0xFFFFD800  }
.LBB2_2:
0x12: {  	p0 =	sne.s32 s10, $0x9C00;
	v1 =	vld [tilespmem:s11+$0x0];
	_ =	sdelay $0x3  }
.Ltmp0:
0x13: {  	(pc) =	sbr.rel @p0 .LBB2_2-.Ltmp0, $2  }
0x14: {  	_ =	sdelay $0x2  }
0x15: {  	s11 =	sshra.s32 s10, $0x2;
	s10 =	sadd.s32 $0x40, s10;
	[tilespmem:v1+s8+$0x0] =	vst.idx.add.f32.msk $0xffff, v0  }
0x16: {  	v1 =	vld [tilespmem:s11+$0x0];
	_ =	sdelay $0x5  }
0x17: {  	s9 =	sadd.s32 $0x1, s9  }
0x18: {  	p0 =	sne.s32 s9, s6  }
.Ltmp1:
0x19: {  	[tilespmem:v1+s8+$0x0] =	vst.idx.add.f32.msk $0xffff, v0;
	(pc) =	sbr.rel @p0 .LBB2_1-.Ltmp1, $4  }
0x1a: {  	[hbm4b:s5+s3] =	stream.linear.scatter [tilespmem:s8], [sflag:$0x1], $0x2800, $0x38;
	[tilespmem:$0x4F80] =	vst v63  }
0x1b: {  	_ =	swait.ge [sflag:s7], $0x2800  }
0x1c: {  	[sflag:s7] =	ssyncset.done $0x0  }
0x1d: {  	[sflag:s7] =	ssyncadd.s32 $0xFFFFD800  }
0x1e: {  	_ =	sfence.sel $0x180000  }
0x1f: {  	[bflag:$0x0] =	sbarrier.arrive $0xFFFF  }
0x20: {  	p0 =	sne.s32 s1, $0x0;
	_ =	strace $0x90000047  }
0x21: {  	s0 =	sadd.s32 @!p0 $0x100000, s0;
	[bflag:$0x2] =	sbarrier.arrive $0xFFFF  }
0x22: {  	[sflag:s0] =	ssyncadd.tile.s32 @!p0 $0x1;
	_ =	shalt  }
.Lfunc_end2:
_tile_overlayer_lowered:
.L_overlay_start_2:
0x23: {  	(tag) =	ssettag $0x2  }
0x24: {  	s0 =	rddreg [dreg:$0x0];
	s2 =	stileid.u32  }
0x25: {  	s1 =	rddreg [dreg:$0x1];
	p0 =	sne.s32 s2, $0x0  }
0x26: {  	s3 =	rddreg [dreg:$0x2];
	[bflag:$0x3] =	sbarrier.arrive $0xFFFF;
	s2 =	simm.s32 @!p0 $0x1C01  }
0x27: {  	[timem:s3], [sflag:s2] =	dma.local @!p0 [hbm:s0], s1  }
0x28: {  	s0 =	simm.s32 @!p0 $0x1  }
0x29: {  	_ =	swait.ge @!p0 [sflag:s0], s1  }
0x2a: {  	s1 =	ssub.s32 @!p0 $0x0, s1;
	[sflag:s0] =	ssyncset.done @!p0 $0x0  }
0x2b: {  	[sflag:s0] =	ssyncadd.s32 @!p0 s1  }
0x2c: {  	[bflag:$0x3] =	sbarrier.arrive $0xFFFF  }
0x2d: {  	_ =	shalt  }

</sc_bundles>
